<compile_context>
chip_gen: v7x
topology: tpu7x:2x2x1
jax: 0.10.2.dev20260603
libtpu: 0.0.44.dev20260713+nightly
codegen_flags: <defaults>
</compile_context>

<pallas_src>
import functools

import jax
import jax.numpy as jnp
from jax import lax
from jax.experimental import pallas as pl
from jax.experimental.pallas import tpu as pltpu
from jax.experimental.pallas import tpu_sc as plsc

N = 10000
NP = 10240
E = 320000
D = 128
DH = 144
NC = 2
NS = 16
NW = NC * NS
EPT = E // NW
C = 80
CHUNKS = EPT // C
RPT = NP // NS
ZROWS = RPT // 10


def _tc_pre(seq_ref, wfc_ref, wgat_ref, a2_ref, h_ref, asd_ref):
    wc = jnp.dot(wfc_ref[...], wgat_ref[...], preferred_element_type=jnp.float32)
    hb = jnp.dot(seq_ref[...], wc, preferred_element_type=jnp.float32)
    col = jax.lax.broadcasted_iota(jnp.int32, (seq_ref.shape[0], DH - D), 1)
    pad = jnp.where(col == 0, 1.0, 0.0).astype(jnp.float32)
    h_ref[...] = jnp.concatenate([hb, pad], axis=1)
    asd_ref[...] = jnp.dot(hb, a2_ref[...], preferred_element_type=jnp.float32)


def _tc_post(acc_ref, asd_ref, h_ref, bc_ref, b_ref, pa_ref, o_ref):
    es = asd_ref[:, 0:1] + asd_ref[:, 1:2]
    es = jnp.where(es > 0, es, 0.2 * es)
    ws = jnp.exp(es)
    acc = acc_ref[0] + acc_ref[1]
    num = acc[:, 0:D] + ws * h_ref[:, 0:D]
    den = acc[:, D:D + 1] + ws + 1e-16
    out = num / den + (bc_ref[...] + b_ref[...])
    pa = pa_ref[0, 0]
    o_ref[...] = jnp.where(out >= 0, out, pa * out)


def _sc_edge_kernel():
    mesh = plsc.VectorSubcoreMesh(core_axis_name="c", subcore_axis_name="s")

    @functools.partial(
        pl.kernel,
        out_type=jax.ShapeDtypeStruct((NC, NP, DH), jnp.float32),
        mesh=mesh,
        compiler_params=pltpu.CompilerParams(
            use_tc_tiling_on_sc=False, needs_layout_passes=False),
        scratch_types=[
            pltpu.VMEM((C,), jnp.int32),
            pltpu.VMEM((C,), jnp.int32),
            pltpu.VMEM((C,), jnp.float32),
            pltpu.VMEM((C,), jnp.float32),
            pltpu.VMEM((C,), jnp.float32),
            pltpu.VMEM((C, DH), jnp.float32),
            pltpu.VMEM((ZROWS, DH), jnp.float32),
            pltpu.VMEM_SHARED((NP, DH), jnp.float32),
            pltpu.SemaphoreType.DMA,
            pltpu.SemaphoreType.DMA,
            pltpu.SemaphoreType.DMA,
        ],
    )
    def k(src_hbm, dst_hbm, as_hbm, ad_hbm, h_hbm, acc_out,
          src_v, dst_v, asg_v, adg_v, w_v, rows_v, zb_v, acc_sh,
          sem1, sem2, sem3):
        cid = lax.axis_index("c")
        sid = lax.axis_index("s")
        wid = cid * NS + sid

        nzchunks = ZROWS * (DH // 16)

        def zb_body(i, carry):
            zb_v[i // (DH // 16), pl.ds((i % (DH // 16)) * 16, 16)] = (
                jnp.zeros((16,), jnp.float32))
            return carry

        lax.fori_loop(0, nzchunks, zb_body, 0)
        for r in range(10):
            pltpu.sync_copy(zb_v, acc_sh.at[pl.ds(sid * RPT + r * ZROWS, ZROWS)])
        plsc.subcore_barrier()

        ebase = wid * EPT

        def chunk_body(kk, carry):
            base = ebase + kk * C
            pltpu.sync_copy(src_hbm.at[pl.ds(base, C)], src_v)
            pltpu.sync_copy(dst_hbm.at[pl.ds(base, C)], dst_v)
            cp3 = pltpu.async_copy(h_hbm.at[src_v], rows_v, sem3)
            cp1 = pltpu.async_copy(as_hbm.at[src_v], asg_v, sem1)
            cp2 = pltpu.async_copy(ad_hbm.at[dst_v], adg_v, sem2)
            cp1.wait()
            cp2.wait()
            for v in range(C // 16):
                av = asg_v[pl.ds(v * 16, 16)]
                bv = adg_v[pl.ds(v * 16, 16)]
                e = av + bv
                e = jnp.where(e > 0, e, 0.2 * e)
                w_v[pl.ds(v * 16, 16)] = jnp.exp(e)
            cp3.wait()

            def scale_body(i, carry2):
                wb = plsc.load_gather(w_v, [jnp.full((16,), i, jnp.int32)])
                for j in range(DH // 16):
                    rows_v[i, pl.ds(j * 16, 16)] = rows_v[i, pl.ds(j * 16, 16)] * wb
                return carry2

            lax.fori_loop(0, C, scale_body, 0)
            pltpu.sync_copy(rows_v, acc_sh.at[dst_v], add=True)
            return carry

        lax.fori_loop(0, CHUNKS, chunk_body, 0)
        plsc.subcore_barrier()
        pltpu.sync_copy(acc_sh.at[pl.ds(sid * RPT, RPT)],
                        acc_out.at[cid, pl.ds(sid * RPT, RPT)])

    return k


_sc_edge = _sc_edge_kernel()


@jax.jit
def kernel(seq, edge_index, W_fc, W_gat, a_src, a_dst, b_conv, bias, prelu_a):
    a2 = jnp.stack([a_src, a_dst], axis=1)
    src = edge_index[0].astype(jnp.int32)
    dst = edge_index[1].astype(jnp.int32)
    seq_p = jnp.pad(seq, ((0, NP - N), (0, 0)))

    h144, asd = pl.pallas_call(
        _tc_pre,
        out_shape=[
            jax.ShapeDtypeStruct((NP, DH), jnp.float32),
            jax.ShapeDtypeStruct((NP, 2), jnp.float32),
        ],
    )(seq_p, W_fc, W_gat, a2)

    as_arr = asd[:, 0]
    ad_arr = asd[:, 1]
    acc = _sc_edge(src, dst, as_arr, ad_arr, h144)

    B = 640
    out = pl.pallas_call(
        _tc_post,
        grid=(NP // B,),
        in_specs=[
            pl.BlockSpec((NC, B, DH), lambda i: (0, i, 0)),
            pl.BlockSpec((B, 2), lambda i: (i, 0)),
            pl.BlockSpec((B, DH), lambda i: (i, 0)),
            pl.BlockSpec((1, D), lambda i: (0, 0)),
            pl.BlockSpec((1, D), lambda i: (0, 0)),
            pl.BlockSpec((1, 1), lambda i: (0, 0)),
        ],
        out_specs=pl.BlockSpec((B, D), lambda i: (i, 0)),
        out_shape=jax.ShapeDtypeStruct((NP, D), jnp.float32),
    )(acc, asd, h144, b_conv.reshape(1, D), bias.reshape(1, D),
      prelu_a.reshape(1, 1))
    return out[:N]

# --- scband reference (transcript-rebuilt; emitter-appended) ---
"""Pipeline reference for scband-gat-3212635537950 (READ-ONLY COPY).

The authoritative reference and input builder live on the scoring server;
editing this copy changes nothing except your own understanding.
"""

import jax, jax.numpy as jnp
import numpy as np

N = 10000
E = 320000
D_IN = 128
D_OUT = 128


def setup_inputs(seed: int = 0):
    key = jax.random.key(seed)
    ks = jax.random.split(key, 6)
    seq = jax.random.normal(ks[0], (N, D_IN), dtype=jnp.float32)
    edge_index = jax.random.randint(ks[1], (2, E), 0, N)
    lim = (6.0 / (D_IN + D_OUT)) ** 0.5
    W_fc = jax.random.uniform(ks[2], (D_IN, D_OUT), minval=-lim, maxval=lim, dtype=jnp.float32)
    W_gat = jax.random.uniform(ks[3], (D_OUT, D_OUT), minval=-lim, maxval=lim, dtype=jnp.float32)
    a_src = jax.random.uniform(ks[4], (D_OUT,), minval=-lim, maxval=lim, dtype=jnp.float32)
    a_dst = jax.random.uniform(ks[5], (D_OUT,), minval=-lim, maxval=lim, dtype=jnp.float32)
    b_conv = jnp.zeros((D_OUT,), dtype=jnp.float32)
    bias = jnp.zeros((D_OUT,), dtype=jnp.float32)
    prelu_a = jnp.array(0.25, dtype=jnp.float32)
    return {"seq": seq, "edge_index": edge_index, "W_fc": W_fc, "W_gat": W_gat,
            "a_src": a_src, "a_dst": a_dst, "b_conv": b_conv, "bias": bias,
            "prelu_a": prelu_a}


def _forward(seq, W_fc, W_gat, a_src, a_dst, b_conv, bias, prelu_a, edge_index):
    n = seq.shape[0]
    # fc (nn.Linear, bias=False)
    h0 = seq @ W_fc
    # GATConv (heads=1, add_self_loops=True, negative_slope=0.2)
    loop = jnp.arange(n, dtype=edge_index.dtype)
    src = jnp.concatenate([edge_index[0], loop])
    dst = jnp.concatenate([edge_index[1], loop])
    h = h0 @ W_gat
    alpha_s = h @ a_src
    alpha_d = h @ a_dst
    e = alpha_s[src] + alpha_d[dst]
    e = jnp.where(e > 0, e, 0.2 * e)  # leaky_relu
    # softmax over incoming edges per destination node
    e_max = jax.ops.segment_max(e, dst, num_segments=n)
    e_exp = jnp.exp(e - e_max[dst])
    denom = jax.ops.segment_sum(e_exp, dst, num_segments=n)
    alpha = e_exp / (denom[dst] + 1e-16)
    out = jax.ops.segment_sum(alpha[:, None] * h[src], dst, num_segments=n)
    out = out + b_conv   # GATConv internal bias
    out = out + bias     # module-level bias parameter
    # PReLU
    return jnp.where(out >= 0, out, prelu_a * out)


def reference(seq, edge_index, W_fc, W_gat, a_src, a_dst, b_conv, bias, prelu_a):
    return _forward(seq, W_fc, W_gat, a_src, a_dst, b_conv, bias, prelu_a, edge_index)

if __name__ == "__main__":
    import jax
    _d = setup_inputs()
    print(jax.jit(kernel)(*tuple(_d.values())))

</pallas_src>

<mosaic_0001>
#map = affine_map<(d0, d1) -> (0)>
#map1 = affine_map<(d0, d1) -> (0, 0)>
#map2 = affine_map<(d0, d1) -> (0, 0, 0)>
module attributes {stable_mosaic.version = 14 : i64} {
  func.func @k(%arg0: i32, %arg1: i32, %arg2: memref<320000xi32, #tpu.memory_space<hbm>>, %arg3: memref<320000xi32, #tpu.memory_space<hbm>>, %arg4: memref<10240xf32, #tpu.memory_space<hbm>>, %arg5: memref<10240xf32, #tpu.memory_space<hbm>>, %arg6: memref<10240x144xf32, #tpu.memory_space<hbm>>, %arg7: memref<2x10240x144xf32, #tpu.memory_space<hbm>>, %arg8: memref<80xi32, #tpu.memory_space<vmem>>, %arg9: memref<80xi32, #tpu.memory_space<vmem>>, %arg10: memref<80xf32, #tpu.memory_space<vmem>>, %arg11: memref<80xf32, #tpu.memory_space<vmem>>, %arg12: memref<80xf32, #tpu.memory_space<vmem>>, %arg13: memref<80x144xf32, #tpu.memory_space<vmem>>, %arg14: memref<64x144xf32, #tpu.memory_space<vmem>>, %arg15: memref<10240x144xf32, #tpu.memory_space<vmem_shared>>, %arg16: memref<!tpu.dma_semaphore, #tpu.memory_space<semaphore_mem>>, %arg17: memref<!tpu.dma_semaphore, #tpu.memory_space<semaphore_mem>>, %arg18: memref<!tpu.dma_semaphore, #tpu.memory_space<semaphore_mem>>) attributes {dimension_semantics = [#tpu.dimension_semantics<core_parallel>, #tpu.dimension_semantics<subcore_parallel>], iteration_bounds = array<i64: 2, 16>, scalar_prefetch = 0 : i64, scratch_operands = 11 : i64, tpu.core_type = #tpu.core_type<sc_vector_subcore>, window_params = [{transform_indices = #map}, {transform_indices = #map}, {transform_indices = #map}, {transform_indices = #map}, {transform_indices = #map1}, {transform_indices = #map2}]} {
    %mul3A = arith.constant 16 : i32
    %mul3A_0 = arith.muli %arg0, %mul3A : i32
    %add3A = arith.addi %mul3A_0, %arg1 : i32
    %scan3A = arith.constant 0 : i32
    %scan3A_1 = arith.constant 0 : i32
    %scan3A_2 = arith.constant 576 : i32
    %scan3A_3 = arith.addi %scan3A_1, %scan3A_2 : i32
    %scan3A_4 = arith.constant 1 : i32
    scf.for %scan3A_59 = %scan3A_1 to %scan3A_3 step %scan3A_4  : i32 {
      %broadcast_in_dim3A = arith.constant 0.000000e+00 : f32
      %broadcast_in_dim3A_60 = vector.broadcast %broadcast_in_dim3A : f32 to vector<16xf32>
      %jit3A = arith.constant 9 : i32
      %div3A = arith.divsi %scan3A_59, %jit3A : i32
      %sign3A = arith.constant 0 : i32
      %sign3A_61 = arith.cmpi sgt, %scan3A_59, %sign3A : i32
      %sign3A_62 = arith.extui %sign3A_61 : i1 to i32
      %sign3A_63 = arith.constant 0 : i32
      %sign3A_64 = arith.cmpi slt, %scan3A_59, %sign3A_63 : i32
      %sign3A_65 = arith.extui %sign3A_64 : i1 to i32
      %sign3A_66 = arith.subi %sign3A_62, %sign3A_65 : i32
      %sign3A_67 = arith.constant 0 : i32
      %sign3A_68 = arith.cmpi sgt, %jit3A, %sign3A_67 : i32
      %sign3A_69 = arith.extui %sign3A_68 : i1 to i32
      %sign3A_70 = arith.constant 0 : i32
      %sign3A_71 = arith.cmpi slt, %jit3A, %sign3A_70 : i32
      %sign3A_72 = arith.extui %sign3A_71 : i1 to i32
      %sign3A_73 = arith.subi %sign3A_69, %sign3A_72 : i32
      %ne3A = arith.cmpi ne, %sign3A_66, %sign3A_73 : i32
      %rem3A = arith.remsi %scan3A_59, %jit3A : i32
      %ne3A_74 = arith.constant 0 : i32
      %ne3A_75 = arith.cmpi ne, %rem3A, %ne3A_74 : i32
      %and3A = arith.andi %ne3A, %ne3A_75 : i1
      %sub3A = arith.constant 1 : i32
      %sub3A_76 = arith.subi %div3A, %sub3A : i32
      %select_n3A = arith.select %and3A, %sub3A_76, %div3A : i32
      %jit3A_77 = arith.constant 9 : i32
      %eq3A = arith.constant 0 : i32
      %eq3A_78 = arith.cmpi eq, %jit3A_77, %eq3A : i32
      %jit3A_79 = arith.constant 1 : i32
      %select_n3A_80 = arith.select %eq3A_78, %jit3A_79, %jit3A_77 : i32
      %rem3A_81 = arith.remsi %scan3A_59, %select_n3A_80 : i32
      %ne3A_82 = arith.constant 0 : i32
      %ne3A_83 = arith.cmpi ne, %rem3A_81, %ne3A_82 : i32
      %lt3A = arith.constant 0 : i32
      %lt3A_84 = arith.cmpi slt, %rem3A_81, %lt3A : i32
      %lt3A_85 = arith.constant 0 : i32
      %lt3A_86 = arith.cmpi slt, %select_n3A_80, %lt3A_85 : i32
      %ne3A_87 = arith.xori %lt3A_84, %lt3A_86 : i1
      %and3A_88 = arith.andi %ne3A_87, %ne3A_83 : i1
      %add3A_89 = arith.addi %rem3A_81, %select_n3A_80 : i32
      %select_n3A_90 = arith.select %and3A_88, %add3A_89, %rem3A_81 : i32
      %mul3A_91 = arith.constant 16 : i32
      %mul3A_92 = arith.muli %select_n3A_90, %mul3A_91 : i32
      %swap3A = arith.index_cast %select_n3A : i32 to index
      %swap3A_93 = arith.index_cast %mul3A_92 : i32 to index
      %swap3A_94 = tpu.vector_load %arg14[%swap3A, %swap3A_93] {strides = array<i32>} : memref<64x144xf32, #tpu.memory_space<vmem>>, vector<16xf32>,
      tpu.vector_store %arg14[%swap3A, %swap3A_93], %broadcast_in_dim3A_60 {strides = array<i32>} : memref<64x144xf32, #tpu.memory_space<vmem>>, vector<16xf32>,
    }
    %scan3A_5 = arith.constant 576 : i32
    %mul3A_6 = arith.constant 640 : i32
    %mul3A_7 = arith.muli %arg1, %mul3A_6 : i32
    %add3A_8 = arith.constant 0 : i32
    %add3A_9 = arith.addi %mul3A_7, %add3A_8 : i32
    "tpu.region"() ({
      %run_scoped3A = tpu.sem_alloc : memref<!tpu.dma_semaphore, #tpu.memory_space<semaphore_mem>>
      %dma_start3A = arith.constant 0 : i32
      %dma_start3A_59 = tpu.memref_slice %arg15[%add3A_9, %dma_start3A] : memref<10240x144xf32, #tpu.memory_space<vmem_shared>> -> memref<64x144xf32, #tpu.memory_space<vmem_shared>>
      %dma_start3A_60 = arith.constant 0 : i32
      %dma_start3A_61 = tpu.memref_slice %arg15[%add3A_9, %dma_start3A_60] : memref<10240x144xf32, #tpu.memory_space<vmem_shared>> -> memref<64x144xf32, #tpu.memory_space<vmem_shared>>
      tpu.enqueue_dma source(%arg14 : memref<64x144xf32, #tpu.memory_space<vmem>>) target(%dma_start3A_61 : memref<64x144xf32, #tpu.memory_space<vmem_shared>>) target_semaphore(%run_scoped3A : memref<!tpu.dma_semaphore, #tpu.memory_space<semaphore_mem>>)
      %dma_wait3A = arith.constant 0 : i32
      %dma_wait3A_62 = tpu.memref_slice %arg15[%add3A_9, %dma_wait3A] : memref<10240x144xf32, #tpu.memory_space<vmem_shared>> -> memref<64x144xf32, #tpu.memory_space<vmem_shared>>
      %dma_wait3A_63 = arith.constant 0 : i32
      %dma_wait3A_64 = tpu.memref_slice %arg15[%add3A_9, %dma_wait3A_63] : memref<10240x144xf32, #tpu.memory_space<vmem_shared>> -> memref<64x144xf32, #tpu.memory_space<vmem_shared>>
      tpu.wait_dma2 semaphore(%run_scoped3A : memref<!tpu.dma_semaphore, #tpu.memory_space<semaphore_mem>>) src(%arg14 : memref<64x144xf32, #tpu.memory_space<vmem>>) dst(%dma_wait3A_64 : memref<64x144xf32, #tpu.memory_space<vmem_shared>>)
      tpu.yield
    }) : () -> ()
    %mul3A_10 = arith.constant 640 : i32
    %mul3A_11 = arith.muli %arg1, %mul3A_10 : i32
    %add3A_12 = arith.constant 64 : i32
    %add3A_13 = arith.addi %mul3A_11, %add3A_12 : i32
    "tpu.region"() ({
      %run_scoped3A = tpu.sem_alloc : memref<!tpu.dma_semaphore, #tpu.memory_space<semaphore_mem>>
      %dma_start3A = arith.constant 0 : i32
      %dma_start3A_59 = tpu.memref_slice %arg15[%add3A_13, %dma_start3A] : memref<10240x144xf32, #tpu.memory_space<vmem_shared>> -> memref<64x144xf32, #tpu.memory_space<vmem_shared>>
      %dma_start3A_60 = arith.constant 0 : i32
      %dma_start3A_61 = tpu.memref_slice %arg15[%add3A_13, %dma_start3A_60] : memref<10240x144xf32, #tpu.memory_space<vmem_shared>> -> memref<64x144xf32, #tpu.memory_space<vmem_shared>>
      tpu.enqueue_dma source(%arg14 : memref<64x144xf32, #tpu.memory_space<vmem>>) target(%dma_start3A_61 : memref<64x144xf32, #tpu.memory_space<vmem_shared>>) target_semaphore(%run_scoped3A : memref<!tpu.dma_semaphore, #tpu.memory_space<semaphore_mem>>)
      %dma_wait3A = arith.constant 0 : i32
      %dma_wait3A_62 = tpu.memref_slice %arg15[%add3A_13, %dma_wait3A] : memref<10240x144xf32, #tpu.memory_space<vmem_shared>> -> memref<64x144xf32, #tpu.memory_space<vmem_shared>>
      %dma_wait3A_63 = arith.constant 0 : i32
      %dma_wait3A_64 = tpu.memref_slice %arg15[%add3A_13, %dma_wait3A_63] : memref<10240x144xf32, #tpu.memory_space<vmem_shared>> -> memref<64x144xf32, #tpu.memory_space<vmem_shared>>
      tpu.wait_dma2 semaphore(%run_scoped3A : memref<!tpu.dma_semaphore, #tpu.memory_space<semaphore_mem>>) src(%arg14 : memref<64x144xf32, #tpu.memory_space<vmem>>) dst(%dma_wait3A_64 : memref<64x144xf32, #tpu.memory_space<vmem_shared>>)
      tpu.yield
    }) : () -> ()
    %mul3A_14 = arith.constant 640 : i32
    %mul3A_15 = arith.muli %arg1, %mul3A_14 : i32
    %add3A_16 = arith.constant 128 : i32
    %add3A_17 = arith.addi %mul3A_15, %add3A_16 : i32
    "tpu.region"() ({
      %run_scoped3A = tpu.sem_alloc : memref<!tpu.dma_semaphore, #tpu.memory_space<semaphore_mem>>
      %dma_start3A = arith.constant 0 : i32
      %dma_start3A_59 = tpu.memref_slice %arg15[%add3A_17, %dma_start3A] : memref<10240x144xf32, #tpu.memory_space<vmem_shared>> -> memref<64x144xf32, #tpu.memory_space<vmem_shared>>
      %dma_start3A_60 = arith.constant 0 : i32
      %dma_start3A_61 = tpu.memref_slice %arg15[%add3A_17, %dma_start3A_60] : memref<10240x144xf32, #tpu.memory_space<vmem_shared>> -> memref<64x144xf32, #tpu.memory_space<vmem_shared>>
      tpu.enqueue_dma source(%arg14 : memref<64x144xf32, #tpu.memory_space<vmem>>) target(%dma_start3A_61 : memref<64x144xf32, #tpu.memory_space<vmem_shared>>) target_semaphore(%run_scoped3A : memref<!tpu.dma_semaphore, #tpu.memory_space<semaphore_mem>>)
      %dma_wait3A = arith.constant 0 : i32
      %dma_wait3A_62 = tpu.memref_slice %arg15[%add3A_17, %dma_wait3A] : memref<10240x144xf32, #tpu.memory_space<vmem_shared>> -> memref<64x144xf32, #tpu.memory_space<vmem_shared>>
      %dma_wait3A_63 = arith.constant 0 : i32
      %dma_wait3A_64 = tpu.memref_slice %arg15[%add3A_17, %dma_wait3A_63] : memref<10240x144xf32, #tpu.memory_space<vmem_shared>> -> memref<64x144xf32, #tpu.memory_space<vmem_shared>>
      tpu.wait_dma2 semaphore(%run_scoped3A : memref<!tpu.dma_semaphore, #tpu.memory_space<semaphore_mem>>) src(%arg14 : memref<64x144xf32, #tpu.memory_space<vmem>>) dst(%dma_wait3A_64 : memref<64x144xf32, #tpu.memory_space<vmem_shared>>)
      tpu.yield
    }) : () -> ()
    %mul3A_18 = arith.constant 640 : i32
    %mul3A_19 = arith.muli %arg1, %mul3A_18 : i32
    %add3A_20 = arith.constant 192 : i32
    %add3A_21 = arith.addi %mul3A_19, %add3A_20 : i32
    "tpu.region"() ({
      %run_scoped3A = tpu.sem_alloc : memref<!tpu.dma_semaphore, #tpu.memory_space<semaphore_mem>>
      %dma_start3A = arith.constant 0 : i32
      %dma_start3A_59 = tpu.memref_slice %arg15[%add3A_21, %dma_start3A] : memref<10240x144xf32, #tpu.memory_space<vmem_shared>> -> memref<64x144xf32, #tpu.memory_space<vmem_shared>>
      %dma_start3A_60 = arith.constant 0 : i32
      %dma_start3A_61 = tpu.memref_slice %arg15[%add3A_21, %dma_start3A_60] : memref<10240x144xf32, #tpu.memory_space<vmem_shared>> -> memref<64x144xf32, #tpu.memory_space<vmem_shared>>
      tpu.enqueue_dma source(%arg14 : memref<64x144xf32, #tpu.memory_space<vmem>>) target(%dma_start3A_61 : memref<64x144xf32, #tpu.memory_space<vmem_shared>>) target_semaphore(%run_scoped3A : memref<!tpu.dma_semaphore, #tpu.memory_space<semaphore_mem>>)
      %dma_wait3A = arith.constant 0 : i32
      %dma_wait3A_62 = tpu.memref_slice %arg15[%add3A_21, %dma_wait3A] : memref<10240x144xf32, #tpu.memory_space<vmem_shared>> -> memref<64x144xf32, #tpu.memory_space<vmem_shared>>
      %dma_wait3A_63 = arith.constant 0 : i32
      %dma_wait3A_64 = tpu.memref_slice %arg15[%add3A_21, %dma_wait3A_63] : memref<10240x144xf32, #tpu.memory_space<vmem_shared>> -> memref<64x144xf32, #tpu.memory_space<vmem_shared>>
      tpu.wait_dma2 semaphore(%run_scoped3A : memref<!tpu.dma_semaphore, #tpu.memory_space<semaphore_mem>>) src(%arg14 : memref<64x144xf32, #tpu.memory_space<vmem>>) dst(%dma_wait3A_64 : memref<64x144xf32, #tpu.memory_space<vmem_shared>>)
      tpu.yield
    }) : () -> ()
    %mul3A_22 = arith.constant 640 : i32
    %mul3A_23 = arith.muli %arg1, %mul3A_22 : i32
    %add3A_24 = arith.constant 256 : i32
    %add3A_25 = arith.addi %mul3A_23, %add3A_24 : i32
    "tpu.region"() ({
      %run_scoped3A = tpu.sem_alloc : memref<!tpu.dma_semaphore, #tpu.memory_space<semaphore_mem>>
      %dma_start3A = arith.constant 0 : i32
      %dma_start3A_59 = tpu.memref_slice %arg15[%add3A_25, %dma_start3A] : memref<10240x144xf32, #tpu.memory_space<vmem_shared>> -> memref<64x144xf32, #tpu.memory_space<vmem_shared>>
      %dma_start3A_60 = arith.constant 0 : i32
      %dma_start3A_61 = tpu.memref_slice %arg15[%add3A_25, %dma_start3A_60] : memref<10240x144xf32, #tpu.memory_space<vmem_shared>> -> memref<64x144xf32, #tpu.memory_space<vmem_shared>>
      tpu.enqueue_dma source(%arg14 : memref<64x144xf32, #tpu.memory_space<vmem>>) target(%dma_start3A_61 : memref<64x144xf32, #tpu.memory_space<vmem_shared>>) target_semaphore(%run_scoped3A : memref<!tpu.dma_semaphore, #tpu.memory_space<semaphore_mem>>)
      %dma_wait3A = arith.constant 0 : i32
      %dma_wait3A_62 = tpu.memref_slice %arg15[%add3A_25, %dma_wait3A] : memref<10240x144xf32, #tpu.memory_space<vmem_shared>> -> memref<64x144xf32, #tpu.memory_space<vmem_shared>>
      %dma_wait3A_63 = arith.constant 0 : i32
      %dma_wait3A_64 = tpu.memref_slice %arg15[%add3A_25, %dma_wait3A_63] : memref<10240x144xf32, #tpu.memory_space<vmem_shared>> -> memref<64x144xf32, #tpu.memory_space<vmem_shared>>
      tpu.wait_dma2 semaphore(%run_scoped3A : memref<!tpu.dma_semaphore, #tpu.memory_space<semaphore_mem>>) src(%arg14 : memref<64x144xf32, #tpu.memory_space<vmem>>) dst(%dma_wait3A_64 : memref<64x144xf32, #tpu.memory_space<vmem_shared>>)
      tpu.yield
    }) : () -> ()
    %mul3A_26 = arith.constant 640 : i32
    %mul3A_27 = arith.muli %arg1, %mul3A_26 : i32
    %add3A_28 = arith.constant 320 : i32
    %add3A_29 = arith.addi %mul3A_27, %add3A_28 : i32
    "tpu.region"() ({
      %run_scoped3A = tpu.sem_alloc : memref<!tpu.dma_semaphore, #tpu.memory_space<semaphore_mem>>
      %dma_start3A = arith.constant 0 : i32
      %dma_start3A_59 = tpu.memref_slice %arg15[%add3A_29, %dma_start3A] : memref<10240x144xf32, #tpu.memory_space<vmem_shared>> -> memref<64x144xf32, #tpu.memory_space<vmem_shared>>
      %dma_start3A_60 = arith.constant 0 : i32
      %dma_start3A_61 = tpu.memref_slice %arg15[%add3A_29, %dma_start3A_60] : memref<10240x144xf32, #tpu.memory_space<vmem_shared>> -> memref<64x144xf32, #tpu.memory_space<vmem_shared>>
      tpu.enqueue_dma source(%arg14 : memref<64x144xf32, #tpu.memory_space<vmem>>) target(%dma_start3A_61 : memref<64x144xf32, #tpu.memory_space<vmem_shared>>) target_semaphore(%run_scoped3A : memref<!tpu.dma_semaphore, #tpu.memory_space<semaphore_mem>>)
      %dma_wait3A = arith.constant 0 : i32
      %dma_wait3A_62 = tpu.memref_slice %arg15[%add3A_29, %dma_wait3A] : memref<10240x144xf32, #tpu.memory_space<vmem_shared>> -> memref<64x144xf32, #tpu.memory_space<vmem_shared>>
      %dma_wait3A_63 = arith.constant 0 : i32
      %dma_wait3A_64 = tpu.memref_slice %arg15[%add3A_29, %dma_wait3A_63] : memref<10240x144xf32, #tpu.memory_space<vmem_shared>> -> memref<64x144xf32, #tpu.memory_space<vmem_shared>>
      tpu.wait_dma2 semaphore(%run_scoped3A : memref<!tpu.dma_semaphore, #tpu.memory_space<semaphore_mem>>) src(%arg14 : memref<64x144xf32, #tpu.memory_space<vmem>>) dst(%dma_wait3A_64 : memref<64x144xf32, #tpu.memory_space<vmem_shared>>)
      tpu.yield
    }) : () -> ()
    %mul3A_30 = arith.constant 640 : i32
    %mul3A_31 = arith.muli %arg1, %mul3A_30 : i32
    %add3A_32 = arith.constant 384 : i32
    %add3A_33 = arith.addi %mul3A_31, %add3A_32 : i32
    "tpu.region"() ({
      %run_scoped3A = tpu.sem_alloc : memref<!tpu.dma_semaphore, #tpu.memory_space<semaphore_mem>>
      %dma_start3A = arith.constant 0 : i32
      %dma_start3A_59 = tpu.memref_slice %arg15[%add3A_33, %dma_start3A] : memref<10240x144xf32, #tpu.memory_space<vmem_shared>> -> memref<64x144xf32, #tpu.memory_space<vmem_shared>>
      %dma_start3A_60 = arith.constant 0 : i32
      %dma_start3A_61 = tpu.memref_slice %arg15[%add3A_33, %dma_start3A_60] : memref<10240x144xf32, #tpu.memory_space<vmem_shared>> -> memref<64x144xf32, #tpu.memory_space<vmem_shared>>
      tpu.enqueue_dma source(%arg14 : memref<64x144xf32, #tpu.memory_space<vmem>>) target(%dma_start3A_61 : memref<64x144xf32, #tpu.memory_space<vmem_shared>>) target_semaphore(%run_scoped3A : memref<!tpu.dma_semaphore, #tpu.memory_space<semaphore_mem>>)
      %dma_wait3A = arith.constant 0 : i32
      %dma_wait3A_62 = tpu.memref_slice %arg15[%add3A_33, %dma_wait3A] : memref<10240x144xf32, #tpu.memory_space<vmem_shared>> -> memref<64x144xf32, #tpu.memory_space<vmem_shared>>
      %dma_wait3A_63 = arith.constant 0 : i32
      %dma_wait3A_64 = tpu.memref_slice %arg15[%add3A_33, %dma_wait3A_63] : memref<10240x144xf32, #tpu.memory_space<vmem_shared>> -> memref<64x144xf32, #tpu.memory_space<vmem_shared>>
      tpu.wait_dma2 semaphore(%run_scoped3A : memref<!tpu.dma_semaphore, #tpu.memory_space<semaphore_mem>>) src(%arg14 : memref<64x144xf32, #tpu.memory_space<vmem>>) dst(%dma_wait3A_64 : memref<64x144xf32, #tpu.memory_space<vmem_shared>>)
      tpu.yield
    }) : () -> ()
    %mul3A_34 = arith.constant 640 : i32
    %mul3A_35 = arith.muli %arg1, %mul3A_34 : i32
    %add3A_36 = arith.constant 448 : i32
    %add3A_37 = arith.addi %mul3A_35, %add3A_36 : i32
    "tpu.region"() ({
      %run_scoped3A = tpu.sem_alloc : memref<!tpu.dma_semaphore, #tpu.memory_space<semaphore_mem>>
      %dma_start3A = arith.constant 0 : i32
      %dma_start3A_59 = tpu.memref_slice %arg15[%add3A_37, %dma_start3A] : memref<10240x144xf32, #tpu.memory_space<vmem_shared>> -> memref<64x144xf32, #tpu.memory_space<vmem_shared>>
      %dma_start3A_60 = arith.constant 0 : i32
      %dma_start3A_61 = tpu.memref_slice %arg15[%add3A_37, %dma_start3A_60] : memref<10240x144xf32, #tpu.memory_space<vmem_shared>> -> memref<64x144xf32, #tpu.memory_space<vmem_shared>>
      tpu.enqueue_dma source(%arg14 : memref<64x144xf32, #tpu.memory_space<vmem>>) target(%dma_start3A_61 : memref<64x144xf32, #tpu.memory_space<vmem_shared>>) target_semaphore(%run_scoped3A : memref<!tpu.dma_semaphore, #tpu.memory_space<semaphore_mem>>)
      %dma_wait3A = arith.constant 0 : i32
      %dma_wait3A_62 = tpu.memref_slice %arg15[%add3A_37, %dma_wait3A] : memref<10240x144xf32, #tpu.memory_space<vmem_shared>> -> memref<64x144xf32, #tpu.memory_space<vmem_shared>>
      %dma_wait3A_63 = arith.constant 0 : i32
      %dma_wait3A_64 = tpu.memref_slice %arg15[%add3A_37, %dma_wait3A_63] : memref<10240x144xf32, #tpu.memory_space<vmem_shared>> -> memref<64x144xf32, #tpu.memory_space<vmem_shared>>
      tpu.wait_dma2 semaphore(%run_scoped3A : memref<!tpu.dma_semaphore, #tpu.memory_space<semaphore_mem>>) src(%arg14 : memref<64x144xf32, #tpu.memory_space<vmem>>) dst(%dma_wait3A_64 : memref<64x144xf32, #tpu.memory_space<vmem_shared>>)
      tpu.yield
    }) : () -> ()
    %mul3A_38 = arith.constant 640 : i32
    %mul3A_39 = arith.muli %arg1, %mul3A_38 : i32
    %add3A_40 = arith.constant 512 : i32
    %add3A_41 = arith.addi %mul3A_39, %add3A_40 : i32
    "tpu.region"() ({
      %run_scoped3A = tpu.sem_alloc : memref<!tpu.dma_semaphore, #tpu.memory_space<semaphore_mem>>
      %dma_start3A = arith.constant 0 : i32
      %dma_start3A_59 = tpu.memref_slice %arg15[%add3A_41, %dma_start3A] : memref<10240x144xf32, #tpu.memory_space<vmem_shared>> -> memref<64x144xf32, #tpu.memory_space<vmem_shared>>
      %dma_start3A_60 = arith.constant 0 : i32
      %dma_start3A_61 = tpu.memref_slice %arg15[%add3A_41, %dma_start3A_60] : memref<10240x144xf32, #tpu.memory_space<vmem_shared>> -> memref<64x144xf32, #tpu.memory_space<vmem_shared>>
      tpu.enqueue_dma source(%arg14 : memref<64x144xf32, #tpu.memory_space<vmem>>) target(%dma_start3A_61 : memref<64x144xf32, #tpu.memory_space<vmem_shared>>) target_semaphore(%run_scoped3A : memref<!tpu.dma_semaphore, #tpu.memory_space<semaphore_mem>>)
      %dma_wait3A = arith.constant 0 : i32
      %dma_wait3A_62 = tpu.memref_slice %arg15[%add3A_41, %dma_wait3A] : memref<10240x144xf32, #tpu.memory_space<vmem_shared>> -> memref<64x144xf32, #tpu.memory_space<vmem_shared>>
      %dma_wait3A_63 = arith.constant 0 : i32
      %dma_wait3A_64 = tpu.memref_slice %arg15[%add3A_41, %dma_wait3A_63] : memref<10240x144xf32, #tpu.memory_space<vmem_shared>> -> memref<64x144xf32, #tpu.memory_space<vmem_shared>>
      tpu.wait_dma2 semaphore(%run_scoped3A : memref<!tpu.dma_semaphore, #tpu.memory_space<semaphore_mem>>) src(%arg14 : memref<64x144xf32, #tpu.memory_space<vmem>>) dst(%dma_wait3A_64 : memref<64x144xf32, #tpu.memory_space<vmem_shared>>)
      tpu.yield
    }) : () -> ()
    %mul3A_42 = arith.constant 640 : i32
    %mul3A_43 = arith.muli %arg1, %mul3A_42 : i32
    %add3A_44 = arith.constant 576 : i32
    %add3A_45 = arith.addi %mul3A_43, %add3A_44 : i32
    "tpu.region"() ({
      %run_scoped3A = tpu.sem_alloc : memref<!tpu.dma_semaphore, #tpu.memory_space<semaphore_mem>>
      %dma_start3A = arith.constant 0 : i32
      %dma_start3A_59 = tpu.memref_slice %arg15[%add3A_45, %dma_start3A] : memref<10240x144xf32, #tpu.memory_space<vmem_shared>> -> memref<64x144xf32, #tpu.memory_space<vmem_shared>>
      %dma_start3A_60 = arith.constant 0 : i32
      %dma_start3A_61 = tpu.memref_slice %arg15[%add3A_45, %dma_start3A_60] : memref<10240x144xf32, #tpu.memory_space<vmem_shared>> -> memref<64x144xf32, #tpu.memory_space<vmem_shared>>
      tpu.enqueue_dma source(%arg14 : memref<64x144xf32, #tpu.memory_space<vmem>>) target(%dma_start3A_61 : memref<64x144xf32, #tpu.memory_space<vmem_shared>>) target_semaphore(%run_scoped3A : memref<!tpu.dma_semaphore, #tpu.memory_space<semaphore_mem>>)
      %dma_wait3A = arith.constant 0 : i32
      %dma_wait3A_62 = tpu.memref_slice %arg15[%add3A_45, %dma_wait3A] : memref<10240x144xf32, #tpu.memory_space<vmem_shared>> -> memref<64x144xf32, #tpu.memory_space<vmem_shared>>
      %dma_wait3A_63 = arith.constant 0 : i32
      %dma_wait3A_64 = tpu.memref_slice %arg15[%add3A_45, %dma_wait3A_63] : memref<10240x144xf32, #tpu.memory_space<vmem_shared>> -> memref<64x144xf32, #tpu.memory_space<vmem_shared>>
      tpu.wait_dma2 semaphore(%run_scoped3A : memref<!tpu.dma_semaphore, #tpu.memory_space<semaphore_mem>>) src(%arg14 : memref<64x144xf32, #tpu.memory_space<vmem>>) dst(%dma_wait3A_64 : memref<64x144xf32, #tpu.memory_space<vmem_shared>>)
      tpu.yield
    }) : () -> ()
    %barrier3A = arith.constant 0 : index
    tpu.barrier barrier_id(%barrier3A)
    %mul3A_46 = arith.constant 10000 : i32
    %mul3A_47 = arith.muli %add3A, %mul3A_46 : i32
    %scan3A_48 = arith.constant 0 : i32
    %scan3A_49 = arith.constant 0 : i32
    %scan3A_50 = arith.constant 125 : i32
    %scan3A_51 = arith.addi %scan3A_49, %scan3A_50 : i32
    %scan3A_52 = arith.constant 1 : i32
    scf.for %scan3A_59 = %scan3A_49 to %scan3A_51 step %scan3A_52  : i32 {
      %mul3A_60 = arith.constant 80 : i32
      %mul3A_61 = arith.muli %scan3A_59, %mul3A_60 : i32
      %add3A_62 = arith.addi %mul3A_47, %mul3A_61 : i32
      "tpu.region"() ({
        %run_scoped3A = tpu.sem_alloc : memref<!tpu.dma_semaphore, #tpu.memory_space<semaphore_mem>>
        %dma_start3A_151 = tpu.memref_slice %arg2[%add3A_62] : memref<320000xi32, #tpu.memory_space<hbm>> -> memref<80xi32, #tpu.memory_space<hbm>>
        %dma_start3A_152 = tpu.memref_slice %arg2[%add3A_62] : memref<320000xi32, #tpu.memory_space<hbm>> -> memref<80xi32, #tpu.memory_space<hbm>>
        tpu.enqueue_dma source(%dma_start3A_152 : memref<80xi32, #tpu.memory_space<hbm>>) target(%arg8 : memref<80xi32, #tpu.memory_space<vmem>>) target_semaphore(%run_scoped3A : memref<!tpu.dma_semaphore, #tpu.memory_space<semaphore_mem>>)
        %dma_wait3A_153 = tpu.memref_slice %arg2[%add3A_62] : memref<320000xi32, #tpu.memory_space<hbm>> -> memref<80xi32, #tpu.memory_space<hbm>>
        %dma_wait3A_154 = tpu.memref_slice %arg2[%add3A_62] : memref<320000xi32, #tpu.memory_space<hbm>> -> memref<80xi32, #tpu.memory_space<hbm>>
        tpu.wait_dma2 semaphore(%run_scoped3A : memref<!tpu.dma_semaphore, #tpu.memory_space<semaphore_mem>>) src(%dma_wait3A_154 : memref<80xi32, #tpu.memory_space<hbm>>) dst(%arg8 : memref<80xi32, #tpu.memory_space<vmem>>)
        tpu.yield
      }) : () -> ()
      "tpu.region"() ({
        %run_scoped3A = tpu.sem_alloc : memref<!tpu.dma_semaphore, #tpu.memory_space<semaphore_mem>>
        %dma_start3A_151 = tpu.memref_slice %arg3[%add3A_62] : memref<320000xi32, #tpu.memory_space<hbm>> -> memref<80xi32, #tpu.memory_space<hbm>>
        %dma_start3A_152 = tpu.memref_slice %arg3[%add3A_62] : memref<320000xi32, #tpu.memory_space<hbm>> -> memref<80xi32, #tpu.memory_space<hbm>>
        tpu.enqueue_dma source(%dma_start3A_152 : memref<80xi32, #tpu.memory_space<hbm>>) target(%arg9 : memref<80xi32, #tpu.memory_space<vmem>>) target_semaphore(%run_scoped3A : memref<!tpu.dma_semaphore, #tpu.memory_space<semaphore_mem>>)
        %dma_wait3A_153 = tpu.memref_slice %arg3[%add3A_62] : memref<320000xi32, #tpu.memory_space<hbm>> -> memref<80xi32, #tpu.memory_space<hbm>>
        %dma_wait3A_154 = tpu.memref_slice %arg3[%add3A_62] : memref<320000xi32, #tpu.memory_space<hbm>> -> memref<80xi32, #tpu.memory_space<hbm>>
        tpu.wait_dma2 semaphore(%run_scoped3A : memref<!tpu.dma_semaphore, #tpu.memory_space<semaphore_mem>>) src(%dma_wait3A_154 : memref<80xi32, #tpu.memory_space<hbm>>) dst(%arg9 : memref<80xi32, #tpu.memory_space<vmem>>)
        tpu.yield
      }) : () -> ()
      %dma_start3A = arith.constant 0 : i32
      %dma_start3A_63 = arith.constant 0 : i32
      %dma_start3A_64 = tpu.memref_slice %arg6[%dma_start3A, %dma_start3A_63] : memref<10240x144xf32, #tpu.memory_space<hbm>> -> memref<10240x144xf32, #tpu.memory_space<hbm>>
      tpu.enqueue_indirect_dma source(%dma_start3A_64 : memref<10240x144xf32, #tpu.memory_space<hbm>>) target(%arg13 : memref<80x144xf32, #tpu.memory_space<vmem>>) offsets(%arg8 : memref<80xi32, #tpu.memory_space<vmem>>) semaphore(%arg18 : memref<!tpu.dma_semaphore, #tpu.memory_space<semaphore_mem>>)
      %dma_start3A_65 = arith.constant 0 : i32
      %dma_start3A_66 = tpu.memref_slice %arg4[%dma_start3A_65] : memref<10240xf32, #tpu.memory_space<hbm>> -> memref<10240xf32, #tpu.memory_space<hbm>>
      tpu.enqueue_indirect_dma source(%dma_start3A_66 : memref<10240xf32, #tpu.memory_space<hbm>>) target(%arg10 : memref<80xf32, #tpu.memory_space<vmem>>) offsets(%arg8 : memref<80xi32, #tpu.memory_space<vmem>>) semaphore(%arg16 : memref<!tpu.dma_semaphore, #tpu.memory_space<semaphore_mem>>)
      %dma_start3A_67 = arith.constant 0 : i32
      %dma_start3A_68 = tpu.memref_slice %arg5[%dma_start3A_67] : memref<10240xf32, #tpu.memory_space<hbm>> -> memref<10240xf32, #tpu.memory_space<hbm>>
      tpu.enqueue_indirect_dma source(%dma_start3A_68 : memref<10240xf32, #tpu.memory_space<hbm>>) target(%arg11 : memref<80xf32, #tpu.memory_space<vmem>>) offsets(%arg9 : memref<80xi32, #tpu.memory_space<vmem>>) semaphore(%arg17 : memref<!tpu.dma_semaphore, #tpu.memory_space<semaphore_mem>>)
      %dma_wait3A = arith.constant 0 : i32
      %dma_wait3A_69 = tpu.memref_slice %arg4[%dma_wait3A] : memref<10240xf32, #tpu.memory_space<hbm>> -> memref<10240xf32, #tpu.memory_space<hbm>>
      tpu.wait_indirect_dma semaphore(%arg16 : memref<!tpu.dma_semaphore, #tpu.memory_space<semaphore_mem>>) src(%dma_wait3A_69 : memref<10240xf32, #tpu.memory_space<hbm>>) dst(%arg10 : memref<80xf32, #tpu.memory_space<vmem>>)
      %dma_wait3A_70 = arith.constant 0 : i32
      %dma_wait3A_71 = tpu.memref_slice %arg5[%dma_wait3A_70] : memref<10240xf32, #tpu.memory_space<hbm>> -> memref<10240xf32, #tpu.memory_space<hbm>>
      tpu.wait_indirect_dma semaphore(%arg17 : memref<!tpu.dma_semaphore, #tpu.memory_space<semaphore_mem>>) src(%dma_wait3A_71 : memref<10240xf32, #tpu.memory_space<hbm>>) dst(%arg11 : memref<80xf32, #tpu.memory_space<vmem>>)
      %get3A = arith.constant 0 : index
      %get3A_72 = tpu.vector_load %arg10[%get3A] {strides = array<i32>} : memref<80xf32, #tpu.memory_space<vmem>>, vector<16xf32>,
      %get3A_73 = arith.constant 0 : index
      %get3A_74 = tpu.vector_load %arg11[%get3A_73] {strides = array<i32>} : memref<80xf32, #tpu.memory_space<vmem>>, vector<16xf32>,
      %add3A_75 = arith.addf %get3A_72, %get3A_74 : vector<16xf32>
      %gt3A = arith.constant 0.000000e+00 : f32
      %gt3A_76 = vector.broadcast %gt3A : f32 to vector<16xf32>
      %gt3A_77 = arith.cmpf ogt, %add3A_75, %gt3A_76 : vector<16xf32>
      %mul3A_78 = arith.constant 2.000000e-01 : f32
      %mul3A_79 = vector.broadcast %mul3A_78 : f32 to vector<16xf32>
      %mul3A_80 = arith.mulf %mul3A_79, %add3A_75 : vector<16xf32>
      %select_n3A = arith.select %gt3A_77, %add3A_75, %mul3A_80 : vector<16xi1>, vector<16xf32>
      %exp3A = math.exp %select_n3A : vector<16xf32>
      %swap3A = arith.constant 0 : index
      %swap3A_81 = tpu.vector_load %arg12[%swap3A] {strides = array<i32>} : memref<80xf32, #tpu.memory_space<vmem>>, vector<16xf32>,
      tpu.vector_store %arg12[%swap3A], %exp3A {strides = array<i32>} : memref<80xf32, #tpu.memory_space<vmem>>, vector<16xf32>,
      %get3A_82 = arith.constant 16 : index
      %get3A_83 = tpu.vector_load %arg10[%get3A_82] {strides = array<i32>} : memref<80xf32, #tpu.memory_space<vmem>>, vector<16xf32>,
      %get3A_84 = arith.constant 16 : index
      %get3A_85 = tpu.vector_load %arg11[%get3A_84] {strides = array<i32>} : memref<80xf32, #tpu.memory_space<vmem>>, vector<16xf32>,
      %add3A_86 = arith.addf %get3A_83, %get3A_85 : vector<16xf32>
      %gt3A_87 = arith.constant 0.000000e+00 : f32
      %gt3A_88 = vector.broadcast %gt3A_87 : f32 to vector<16xf32>
      %gt3A_89 = arith.cmpf ogt, %add3A_86, %gt3A_88 : vector<16xf32>
      %mul3A_90 = arith.constant 2.000000e-01 : f32
      %mul3A_91 = vector.broadcast %mul3A_90 : f32 to vector<16xf32>
      %mul3A_92 = arith.mulf %mul3A_91, %add3A_86 : vector<16xf32>
      %select_n3A_93 = arith.select %gt3A_89, %add3A_86, %mul3A_92 : vector<16xi1>, vector<16xf32>
      %exp3A_94 = math.exp %select_n3A_93 : vector<16xf32>
      %swap3A_95 = arith.constant 16 : index
      %swap3A_96 = tpu.vector_load %arg12[%swap3A_95] {strides = array<i32>} : memref<80xf32, #tpu.memory_space<vmem>>, vector<16xf32>,
      tpu.vector_store %arg12[%swap3A_95], %exp3A_94 {strides = array<i32>} : memref<80xf32, #tpu.memory_space<vmem>>, vector<16xf32>,
      %get3A_97 = arith.constant 32 : index
      %get3A_98 = tpu.vector_load %arg10[%get3A_97] {strides = array<i32>} : memref<80xf32, #tpu.memory_space<vmem>>, vector<16xf32>,
      %get3A_99 = arith.constant 32 : index
      %get3A_100 = tpu.vector_load %arg11[%get3A_99] {strides = array<i32>} : memref<80xf32, #tpu.memory_space<vmem>>, vector<16xf32>,
      %add3A_101 = arith.addf %get3A_98, %get3A_100 : vector<16xf32>
      %gt3A_102 = arith.constant 0.000000e+00 : f32
      %gt3A_103 = vector.broadcast %gt3A_102 : f32 to vector<16xf32>
      %gt3A_104 = arith.cmpf ogt, %add3A_101, %gt3A_103 : vector<16xf32>
      %mul3A_105 = arith.constant 2.000000e-01 : f32
      %mul3A_106 = vector.broadcast %mul3A_105 : f32 to vector<16xf32>
      %mul3A_107 = arith.mulf %mul3A_106, %add3A_101 : vector<16xf32>
      %select_n3A_108 = arith.select %gt3A_104, %add3A_101, %mul3A_107 : vector<16xi1>, vector<16xf32>
      %exp3A_109 = math.exp %select_n3A_108 : vector<16xf32>
      %swap3A_110 = arith.constant 32 : index
      %swap3A_111 = tpu.vector_load %arg12[%swap3A_110] {strides = array<i32>} : memref<80xf32, #tpu.memory_space<vmem>>, vector<16xf32>,
      tpu.vector_store %arg12[%swap3A_110], %exp3A_109 {strides = array<i32>} : memref<80xf32, #tpu.memory_space<vmem>>, vector<16xf32>,
      %get3A_112 = arith.constant 48 : index
      %get3A_113 = tpu.vector_load %arg10[%get3A_112] {strides = array<i32>} : memref<80xf32, #tpu.memory_space<vmem>>, vector<16xf32>,
      %get3A_114 = arith.constant 48 : index
      %get3A_115 = tpu.vector_load %arg11[%get3A_114] {strides = array<i32>} : memref<80xf32, #tpu.memory_space<vmem>>, vector<16xf32>,
      %add3A_116 = arith.addf %get3A_113, %get3A_115 : vector<16xf32>
      %gt3A_117 = arith.constant 0.000000e+00 : f32
      %gt3A_118 = vector.broadcast %gt3A_117 : f32 to vector<16xf32>
      %gt3A_119 = arith.cmpf ogt, %add3A_116, %gt3A_118 : vector<16xf32>
      %mul3A_120 = arith.constant 2.000000e-01 : f32
      %mul3A_121 = vector.broadcast %mul3A_120 : f32 to vector<16xf32>
      %mul3A_122 = arith.mulf %mul3A_121, %add3A_116 : vector<16xf32>
      %select_n3A_123 = arith.select %gt3A_119, %add3A_116, %mul3A_122 : vector<16xi1>, vector<16xf32>
      %exp3A_124 = math.exp %select_n3A_123 : vector<16xf32>
      %swap3A_125 = arith.constant 48 : index
      %swap3A_126 = tpu.vector_load %arg12[%swap3A_125] {strides = array<i32>} : memref<80xf32, #tpu.memory_space<vmem>>, vector<16xf32>,
      tpu.vector_store %arg12[%swap3A_125], %exp3A_124 {strides = array<i32>} : memref<80xf32, #tpu.memory_space<vmem>>, vector<16xf32>,
      %get3A_127 = arith.constant 64 : index
      %get3A_128 = tpu.vector_load %arg10[%get3A_127] {strides = array<i32>} : memref<80xf32, #tpu.memory_space<vmem>>, vector<16xf32>,
      %get3A_129 = arith.constant 64 : index
      %get3A_130 = tpu.vector_load %arg11[%get3A_129] {strides = array<i32>} : memref<80xf32, #tpu.memory_space<vmem>>, vector<16xf32>,
      %add3A_131 = arith.addf %get3A_128, %get3A_130 : vector<16xf32>
      %gt3A_132 = arith.constant 0.000000e+00 : f32
      %gt3A_133 = vector.broadcast %gt3A_132 : f32 to vector<16xf32>
      %gt3A_134 = arith.cmpf ogt, %add3A_131, %gt3A_133 : vector<16xf32>
      %mul3A_135 = arith.constant 2.000000e-01 : f32
      %mul3A_136 = vector.broadcast %mul3A_135 : f32 to vector<16xf32>
      %mul3A_137 = arith.mulf %mul3A_136, %add3A_131 : vector<16xf32>
      %select_n3A_138 = arith.select %gt3A_134, %add3A_131, %mul3A_137 : vector<16xi1>, vector<16xf32>
      %exp3A_139 = math.exp %select_n3A_138 : vector<16xf32>
      %swap3A_140 = arith.constant 64 : index
      %swap3A_141 = tpu.vector_load %arg12[%swap3A_140] {strides = array<i32>} : memref<80xf32, #tpu.memory_space<vmem>>, vector<16xf32>,
      tpu.vector_store %arg12[%swap3A_140], %exp3A_139 {strides = array<i32>} : memref<80xf32, #tpu.memory_space<vmem>>, vector<16xf32>,
      %dma_wait3A_142 = arith.constant 0 : i32
      %dma_wait3A_143 = arith.constant 0 : i32
      %dma_wait3A_144 = tpu.memref_slice %arg6[%dma_wait3A_142, %dma_wait3A_143] : memref<10240x144xf32, #tpu.memory_space<hbm>> -> memref<10240x144xf32, #tpu.memory_space<hbm>>
      tpu.wait_indirect_dma semaphore(%arg18 : memref<!tpu.dma_semaphore, #tpu.memory_space<semaphore_mem>>) src(%dma_wait3A_144 : memref<10240x144xf32, #tpu.memory_space<hbm>>) dst(%arg13 : memref<80x144xf32, #tpu.memory_space<vmem>>)
      %scan3A_145 = arith.constant 0 : i32
      %scan3A_146 = arith.constant 0 : i32
      %scan3A_147 = arith.constant 80 : i32
      %scan3A_148 = arith.addi %scan3A_146, %scan3A_147 : i32
      %scan3A_149 = arith.constant 1 : i32
      scf.for %scan3A_151 = %scan3A_146 to %scan3A_148 step %scan3A_149  : i32 {
        %broadcast_in_dim3A = vector.broadcast %scan3A_151 : i32 to vector<16xi32>
        %gather3A = tpu.vector_load_idx %arg12[%broadcast_in_dim3A] : memref<80xf32, #tpu.memory_space<vmem>>[vector<16xi32>], vector<16xf32>,
        %get3A_152 = arith.index_cast %scan3A_151 : i32 to index
        %get3A_153 = arith.constant 0 : index
        %get3A_154 = tpu.vector_load %arg13[%get3A_152, %get3A_153] {strides = array<i32>} : memref<80x144xf32, #tpu.memory_space<vmem>>, vector<16xf32>,
        %mul3A_155 = arith.mulf %get3A_154, %gather3A : vector<16xf32>
        %swap3A_156 = arith.index_cast %scan3A_151 : i32 to index
        %swap3A_157 = arith.constant 0 : index
        %swap3A_158 = tpu.vector_load %arg13[%swap3A_156, %swap3A_157] {strides = array<i32>} : memref<80x144xf32, #tpu.memory_space<vmem>>, vector<16xf32>,
        tpu.vector_store %arg13[%swap3A_156, %swap3A_157], %mul3A_155 {strides = array<i32>} : memref<80x144xf32, #tpu.memory_space<vmem>>, vector<16xf32>,
        %get3A_159 = arith.index_cast %scan3A_151 : i32 to index
        %get3A_160 = arith.constant 16 : index
        %get3A_161 = tpu.vector_load %arg13[%get3A_159, %get3A_160] {strides = array<i32>} : memref<80x144xf32, #tpu.memory_space<vmem>>, vector<16xf32>,
        %mul3A_162 = arith.mulf %get3A_161, %gather3A : vector<16xf32>
        %swap3A_163 = arith.index_cast %scan3A_151 : i32 to index
        %swap3A_164 = arith.constant 16 : index
        %swap3A_165 = tpu.vector_load %arg13[%swap3A_163, %swap3A_164] {strides = array<i32>} : memref<80x144xf32, #tpu.memory_space<vmem>>, vector<16xf32>,
        tpu.vector_store %arg13[%swap3A_163, %swap3A_164], %mul3A_162 {strides = array<i32>} : memref<80x144xf32, #tpu.memory_space<vmem>>, vector<16xf32>,
        %get3A_166 = arith.index_cast %scan3A_151 : i32 to index
        %get3A_167 = arith.constant 32 : index
        %get3A_168 = tpu.vector_load %arg13[%get3A_166, %get3A_167] {strides = array<i32>} : memref<80x144xf32, #tpu.memory_space<vmem>>, vector<16xf32>,
        %mul3A_169 = arith.mulf %get3A_168, %gather3A : vector<16xf32>
        %swap3A_170 = arith.index_cast %scan3A_151 : i32 to index
        %swap3A_171 = arith.constant 32 : index
        %swap3A_172 = tpu.vector_load %arg13[%swap3A_170, %swap3A_171] {strides = array<i32>} : memref<80x144xf32, #tpu.memory_space<vmem>>, vector<16xf32>,
        tpu.vector_store %arg13[%swap3A_170, %swap3A_171], %mul3A_169 {strides = array<i32>} : memref<80x144xf32, #tpu.memory_space<vmem>>, vector<16xf32>,
        %get3A_173 = arith.index_cast %scan3A_151 : i32 to index
        %get3A_174 = arith.constant 48 : index
        %get3A_175 = tpu.vector_load %arg13[%get3A_173, %get3A_174] {strides = array<i32>} : memref<80x144xf32, #tpu.memory_space<vmem>>, vector<16xf32>,
        %mul3A_176 = arith.mulf %get3A_175, %gather3A : vector<16xf32>
        %swap3A_177 = arith.index_cast %scan3A_151 : i32 to index
        %swap3A_178 = arith.constant 48 : index
        %swap3A_179 = tpu.vector_load %arg13[%swap3A_177, %swap3A_178] {strides = array<i32>} : memref<80x144xf32, #tpu.memory_space<vmem>>, vector<16xf32>,
        tpu.vector_store %arg13[%swap3A_177, %swap3A_178], %mul3A_176 {strides = array<i32>} : memref<80x144xf32, #tpu.memory_space<vmem>>, vector<16xf32>,
        %get3A_180 = arith.index_cast %scan3A_151 : i32 to index
        %get3A_181 = arith.constant 64 : index
        %get3A_182 = tpu.vector_load %arg13[%get3A_180, %get3A_181] {strides = array<i32>} : memref<80x144xf32, #tpu.memory_space<vmem>>, vector<16xf32>,
        %mul3A_183 = arith.mulf %get3A_182, %gather3A : vector<16xf32>
        %swap3A_184 = arith.index_cast %scan3A_151 : i32 to index
        %swap3A_185 = arith.constant 64 : index
        %swap3A_186 = tpu.vector_load %arg13[%swap3A_184, %swap3A_185] {strides = array<i32>} : memref<80x144xf32, #tpu.memory_space<vmem>>, vector<16xf32>,
        tpu.vector_store %arg13[%swap3A_184, %swap3A_185], %mul3A_183 {strides = array<i32>} : memref<80x144xf32, #tpu.memory_space<vmem>>, vector<16xf32>,
        %get3A_187 = arith.index_cast %scan3A_151 : i32 to index
        %get3A_188 = arith.constant 80 : index
        %get3A_189 = tpu.vector_load %arg13[%get3A_187, %get3A_188] {strides = array<i32>} : memref<80x144xf32, #tpu.memory_space<vmem>>, vector<16xf32>,
        %mul3A_190 = arith.mulf %get3A_189, %gather3A : vector<16xf32>
        %swap3A_191 = arith.index_cast %scan3A_151 : i32 to index
        %swap3A_192 = arith.constant 80 : index
        %swap3A_193 = tpu.vector_load %arg13[%swap3A_191, %swap3A_192] {strides = array<i32>} : memref<80x144xf32, #tpu.memory_space<vmem>>, vector<16xf32>,
        tpu.vector_store %arg13[%swap3A_191, %swap3A_192], %mul3A_190 {strides = array<i32>} : memref<80x144xf32, #tpu.memory_space<vmem>>, vector<16xf32>,
        %get3A_194 = arith.index_cast %scan3A_151 : i32 to index
        %get3A_195 = arith.constant 96 : index
        %get3A_196 = tpu.vector_load %arg13[%get3A_194, %get3A_195] {strides = array<i32>} : memref<80x144xf32, #tpu.memory_space<vmem>>, vector<16xf32>,
        %mul3A_197 = arith.mulf %get3A_196, %gather3A : vector<16xf32>
        %swap3A_198 = arith.index_cast %scan3A_151 : i32 to index
        %swap3A_199 = arith.constant 96 : index
        %swap3A_200 = tpu.vector_load %arg13[%swap3A_198, %swap3A_199] {strides = array<i32>} : memref<80x144xf32, #tpu.memory_space<vmem>>, vector<16xf32>,
        tpu.vector_store %arg13[%swap3A_198, %swap3A_199], %mul3A_197 {strides = array<i32>} : memref<80x144xf32, #tpu.memory_space<vmem>>, vector<16xf32>,
        %get3A_201 = arith.index_cast %scan3A_151 : i32 to index
        %get3A_202 = arith.constant 112 : index
        %get3A_203 = tpu.vector_load %arg13[%get3A_201, %get3A_202] {strides = array<i32>} : memref<80x144xf32, #tpu.memory_space<vmem>>, vector<16xf32>,
        %mul3A_204 = arith.mulf %get3A_203, %gather3A : vector<16xf32>
        %swap3A_205 = arith.index_cast %scan3A_151 : i32 to index
        %swap3A_206 = arith.constant 112 : index
        %swap3A_207 = tpu.vector_load %arg13[%swap3A_205, %swap3A_206] {strides = array<i32>} : memref<80x144xf32, #tpu.memory_space<vmem>>, vector<16xf32>,
        tpu.vector_store %arg13[%swap3A_205, %swap3A_206], %mul3A_204 {strides = array<i32>} : memref<80x144xf32, #tpu.memory_space<vmem>>, vector<16xf32>,
        %get3A_208 = arith.index_cast %scan3A_151 : i32 to index
        %get3A_209 = arith.constant 128 : index
        %get3A_210 = tpu.vector_load %arg13[%get3A_208, %get3A_209] {strides = array<i32>} : memref<80x144xf32, #tpu.memory_space<vmem>>, vector<16xf32>,
        %mul3A_211 = arith.mulf %get3A_210, %gather3A : vector<16xf32>
        %swap3A_212 = arith.index_cast %scan3A_151 : i32 to index
        %swap3A_213 = arith.constant 128 : index
        %swap3A_214 = tpu.vector_load %arg13[%swap3A_212, %swap3A_213] {strides = array<i32>} : memref<80x144xf32, #tpu.memory_space<vmem>>, vector<16xf32>,
        tpu.vector_store %arg13[%swap3A_212, %swap3A_213], %mul3A_211 {strides = array<i32>} : memref<80x144xf32, #tpu.memory_space<vmem>>, vector<16xf32>,
      }
      %scan3A_150 = arith.constant 80 : i32
      "tpu.region"() ({
        %run_scoped3A = tpu.sem_alloc : memref<!tpu.dma_semaphore, #tpu.memory_space<semaphore_mem>>
        %dma_start3A_151 = arith.constant 0 : i32
        %dma_start3A_152 = arith.constant 0 : i32
        %dma_start3A_153 = tpu.memref_slice %arg15[%dma_start3A_151, %dma_start3A_152] : memref<10240x144xf32, #tpu.memory_space<vmem_shared>> -> memref<10240x144xf32, #tpu.memory_space<vmem_shared>>
        tpu.enqueue_indirect_dma source(%arg13 : memref<80x144xf32, #tpu.memory_space<vmem>>) target(%dma_start3A_153 : memref<10240x144xf32, #tpu.memory_space<vmem_shared>>) offsets(%arg9 : memref<80xi32, #tpu.memory_space<vmem>>) semaphore(%run_scoped3A : memref<!tpu.dma_semaphore, #tpu.memory_space<semaphore_mem>>) {add = true}
        %dma_wait3A_154 = arith.constant 0 : i32
        %dma_wait3A_155 = arith.constant 0 : i32
        %dma_wait3A_156 = tpu.memref_slice %arg15[%dma_wait3A_154, %dma_wait3A_155] : memref<10240x144xf32, #tpu.memory_space<vmem_shared>> -> memref<10240x144xf32, #tpu.memory_space<vmem_shared>>
        tpu.wait_indirect_dma semaphore(%run_scoped3A : memref<!tpu.dma_semaphore, #tpu.memory_space<semaphore_mem>>) src(%arg13 : memref<80x144xf32, #tpu.memory_space<vmem>>) dst(%dma_wait3A_156 : memref<10240x144xf32, #tpu.memory_space<vmem_shared>>)
        tpu.yield
      }) : () -> ()
    }
    %scan3A_53 = arith.constant 125 : i32
    %barrier3A_54 = arith.constant 0 : index
    tpu.barrier barrier_id(%barrier3A_54)
    %mul3A_55 = arith.constant 640 : i32
    %mul3A_56 = arith.muli %arg1, %mul3A_55 : i32
    %mul3A_57 = arith.constant 640 : i32
    %mul3A_58 = arith.muli %arg1, %mul3A_57 : i32
    "tpu.region"() ({
      %run_scoped3A = tpu.sem_alloc : memref<!tpu.dma_semaphore, #tpu.memory_space<semaphore_mem>>
      %dma_start3A = arith.constant 0 : i32
      %dma_start3A_59 = tpu.memref_slice %arg7[%arg0, %mul3A_58, %dma_start3A] : memref<2x10240x144xf32, #tpu.memory_space<hbm>> -> memref<1x640x144xf32, #tpu.memory_space<hbm>>
      %dma_start3A_60 = tpu.memref_squeeze %dma_start3A_59 : memref<1x640x144xf32, #tpu.memory_space<hbm>> -> memref<640x144xf32, #tpu.memory_space<hbm>>
      %dma_start3A_61 = arith.constant 0 : i32
      %dma_start3A_62 = tpu.memref_slice %arg15[%mul3A_56, %dma_start3A_61] : memref<10240x144xf32, #tpu.memory_space<vmem_shared>> -> memref<640x144xf32, #tpu.memory_space<vmem_shared>>
      tpu.enqueue_dma source(%dma_start3A_62 : memref<640x144xf32, #tpu.memory_space<vmem_shared>>) target(%dma_start3A_60 : memref<640x144xf32, #tpu.memory_space<hbm>>) target_semaphore(%run_scoped3A : memref<!tpu.dma_semaphore, #tpu.memory_space<semaphore_mem>>)
      %dma_wait3A = arith.constant 0 : i32
      %dma_wait3A_63 = tpu.memref_slice %arg7[%arg0, %mul3A_58, %dma_wait3A] : memref<2x10240x144xf32, #tpu.memory_space<hbm>> -> memref<1x640x144xf32, #tpu.memory_space<hbm>>
      %dma_wait3A_64 = tpu.memref_squeeze %dma_wait3A_63 : memref<1x640x144xf32, #tpu.memory_space<hbm>> -> memref<640x144xf32, #tpu.memory_space<hbm>>
      %dma_wait3A_65 = arith.constant 0 : i32
      %dma_wait3A_66 = tpu.memref_slice %arg15[%mul3A_56, %dma_wait3A_65] : memref<10240x144xf32, #tpu.memory_space<vmem_shared>> -> memref<640x144xf32, #tpu.memory_space<vmem_shared>>
      tpu.wait_dma2 semaphore(%run_scoped3A : memref<!tpu.dma_semaphore, #tpu.memory_space<semaphore_mem>>) src(%dma_wait3A_66 : memref<640x144xf32, #tpu.memory_space<vmem_shared>>) dst(%dma_wait3A_64 : memref<640x144xf32, #tpu.memory_space<hbm>>)
      tpu.yield
    }) : () -> ()
    return
  }
}

module attributes {stable_mosaic.version = 14 : i64} {
  func.func @_tc_pre(%arg0: memref<10240x128xf32, #tpu.memory_space<vmem>>, %arg1: memref<128x128xf32, #tpu.memory_space<vmem>>, %arg2: memref<128x128xf32, #tpu.memory_space<vmem>>, %arg3: memref<128x2xf32, #tpu.memory_space<vmem>>, %arg4: memref<10240x144xf32, #tpu.memory_space<vmem>>, %arg5: memref<10240x2xf32, #tpu.memory_space<vmem>>) attributes {dimension_semantics = [], scalar_prefetch = 0 : i64, scratch_operands = 0 : i64, tpu.core_type = #tpu.core_type<tc>} {
    %get3A = arith.constant 0 : index
    %get3A_0 = arith.constant 0 : index
    %get3A_1 = vector.load %arg1[%get3A, %get3A_0] : memref<128x128xf32, #tpu.memory_space<vmem>>, vector<128x128xf32>
    %get3A_2 = arith.constant 0 : index
    %get3A_3 = arith.constant 0 : index
    %get3A_4 = vector.load %arg2[%get3A_2, %get3A_3] : memref<128x128xf32, #tpu.memory_space<vmem>>, vector<128x128xf32>
    %dot_general3A = arith.constant dense<0.000000e+00> : vector<128x128xf32>
    %dot_general3A_5 = tpu.matmul %get3A_1, %get3A_4, %dot_general3A {dimension_numbers = #tpu.dot_dimension_numbers<[1], [0], [0], [1], [0, 0, 1, 1], [], []>, transpose_lhs_hint = false} : vector<128x128xf32>, vector<128x128xf32>, vector<128x128xf32> -> vector<128x128xf32>
    %get3A_6 = arith.constant 0 : index
    %get3A_7 = arith.constant 0 : index
    %get3A_8 = vector.load %arg0[%get3A_6, %get3A_7] : memref<10240x128xf32, #tpu.memory_space<vmem>>, vector<10240x128xf32>
    %dot_general3A_9 = arith.constant dense<0.000000e+00> : vector<10240x128xf32>
    %dot_general3A_10 = tpu.matmul %get3A_8, %dot_general3A_5, %dot_general3A_9 {dimension_numbers = #tpu.dot_dimension_numbers<[1], [0], [0], [1], [0, 0, 1, 1], [], []>, transpose_lhs_hint = false} : vector<10240x128xf32>, vector<128x128xf32>, vector<10240x128xf32> -> vector<10240x128xf32>
    %iota3A = tpu.iota {dimensions = array<i32: 1>} : vector<10240x16xi32>
    %eq3A = arith.constant 0 : i32
    %eq3A_11 = vector.broadcast %eq3A : i32 to vector<10240x16xi32>
    %eq3A_12 = arith.cmpi eq, %iota3A, %eq3A_11 : vector<10240x16xi32>
    %jit3A = arith.constant 1.000000e+00 : f32
    %jit3A_13 = arith.constant 0.000000e+00 : f32
    %broadcast_in_dim3A = vector.broadcast %jit3A : f32 to vector<10240x16xf32>
    %broadcast_in_dim3A_14 = vector.broadcast %jit3A_13 : f32 to vector<10240x16xf32>
    %select_n3A = arith.select %eq3A_12, %broadcast_in_dim3A, %broadcast_in_dim3A_14 : vector<10240x16xi1>, vector<10240x16xf32>
    %concatenate3A = tpu.concatenate %dot_general3A_10, %select_n3A in 1 : vector<10240x128xf32>, vector<10240x16xf32> -> vector<10240x144xf32>
    %swap3A = arith.constant 0 : index
    %swap3A_15 = arith.constant 0 : index
    %swap3A_16 = vector.load %arg4[%swap3A, %swap3A_15] : memref<10240x144xf32, #tpu.memory_space<vmem>>, vector<10240x144xf32>
    tpu.vector_store %arg4[%swap3A, %swap3A_15], %concatenate3A {strides = array<i32>} : memref<10240x144xf32, #tpu.memory_space<vmem>>, vector<10240x144xf32>,
    %get3A_17 = arith.constant 0 : index
    %get3A_18 = arith.constant 0 : index
    %get3A_19 = vector.load %arg3[%get3A_17, %get3A_18] : memref<128x2xf32, #tpu.memory_space<vmem>>, vector<128x2xf32>
    %dot_general3A_20 = arith.constant dense<0.000000e+00> : vector<10240x2xf32>
    %dot_general3A_21 = tpu.matmul %dot_general3A_10, %get3A_19, %dot_general3A_20 {dimension_numbers = #tpu.dot_dimension_numbers<[1], [0], [0], [1], [0, 0, 1, 1], [], []>, transpose_lhs_hint = false} : vector<10240x128xf32>, vector<128x2xf32>, vector<10240x2xf32> -> vector<10240x2xf32>
    %swap3A_22 = arith.constant 0 : index
    %swap3A_23 = arith.constant 0 : index
    %swap3A_24 = vector.load %arg5[%swap3A_22, %swap3A_23] : memref<10240x2xf32, #tpu.memory_space<vmem>>, vector<10240x2xf32>
    tpu.vector_store %arg5[%swap3A_22, %swap3A_23], %dot_general3A_21 {strides = array<i32>} : memref<10240x2xf32, #tpu.memory_space<vmem>>, vector<10240x2xf32>,
    return
  }
}

module attributes {stable_mosaic.version = 14 : i64} {
  func.func @_tc_post(%arg0: i32, %arg1: memref<2x640x144xf32, #tpu.memory_space<vmem>>, %arg2: memref<640x2xf32, #tpu.memory_space<vmem>>, %arg3: memref<640x144xf32, #tpu.memory_space<vmem>>, %arg4: memref<1x128xf32, #tpu.memory_space<vmem>>, %arg5: memref<1x128xf32, #tpu.memory_space<vmem>>, %arg6: memref<1x1xf32, #tpu.memory_space<vmem>>, %arg7: memref<640x128xf32, #tpu.memory_space<vmem>>) attributes {dimension_semantics = [#tpu.dimension_semantics<arbitrary>], iteration_bounds = array<i64: 16>, scalar_prefetch = 0 : i64, scratch_operands = 0 : i64, tpu.core_type = #tpu.core_type<tc>, window_params = [{transform_indices = @transform_0, window_bounds = array<i64: 2, 640, 144>}, {transform_indices = @transform_1, window_bounds = array<i64: 640, 2>}, {transform_indices = @transform_2, window_bounds = array<i64: 640, 144>}, {pipeline_mode = #tpu.pipeline_mode<synchronous>, transform_indices = @transform_3, window_bounds = array<i64: 1, 128>}, {pipeline_mode = #tpu.pipeline_mode<synchronous>, transform_indices = @transform_4, window_bounds = array<i64: 1, 128>}, {pipeline_mode = #tpu.pipeline_mode<synchronous>, transform_indices = @transform_5, window_bounds = array<i64: 1, 1>}, {transform_indices = @transform_6, window_bounds = array<i64: 640, 128>}]} {
    %get3A = arith.constant 0 : index
    %get3A_0 = arith.constant 0 : index
    %get3A_1 = vector.load %arg2[%get3A, %get3A_0] : memref<640x2xf32, #tpu.memory_space<vmem>>, vector<640x1xf32>
    %get3A_2 = arith.constant 0 : index
    %get3A_3 = arith.constant 1 : index
    %get3A_4 = vector.load %arg2[%get3A_2, %get3A_3] : memref<640x2xf32, #tpu.memory_space<vmem>>, vector<640x1xf32>
    %add3A = arith.addf %get3A_1, %get3A_4 : vector<640x1xf32>
    %gt3A = arith.constant 0.000000e+00 : f32
    %gt3A_5 = vector.broadcast %gt3A : f32 to vector<640x1xf32>
    %gt3A_6 = arith.cmpf ogt, %add3A, %gt3A_5 : vector<640x1xf32>
    %mul3A = arith.constant 2.000000e-01 : f32
    %mul3A_7 = vector.broadcast %mul3A : f32 to vector<640x1xf32>
    %mul3A_8 = arith.mulf %mul3A_7, %add3A : vector<640x1xf32>
    %select_n3A = arith.select %gt3A_6, %add3A, %mul3A_8 : vector<640x1xi1>, vector<640x1xf32>
    %exp3A = math.exp %select_n3A : vector<640x1xf32>
    %get3A_9 = arith.constant 0 : index
    %get3A_10 = arith.constant 0 : index
    %get3A_11 = arith.constant 0 : index
    %get3A_12 = vector.load %arg1[%get3A_9, %get3A_10, %get3A_11] : memref<2x640x144xf32, #tpu.memory_space<vmem>>, vector<1x640x144xf32>
    %get3A_13 = vector.shape_cast %get3A_12 : vector<1x640x144xf32> to vector<640x144xf32>
    %get3A_14 = arith.constant 1 : index
    %get3A_15 = arith.constant 0 : index
    %get3A_16 = arith.constant 0 : index
    %get3A_17 = vector.load %arg1[%get3A_14, %get3A_15, %get3A_16] : memref<2x640x144xf32, #tpu.memory_space<vmem>>, vector<1x640x144xf32>
    %get3A_18 = vector.shape_cast %get3A_17 : vector<1x640x144xf32> to vector<640x144xf32>
    %add3A_19 = arith.addf %get3A_13, %get3A_18 : vector<640x144xf32>
    %slice3A = vector.extract_strided_slice %add3A_19 {offsets = [0, 0], sizes = [640, 128], strides = [1, 1]} : vector<640x144xf32> to vector<640x128xf32>
    %get3A_20 = arith.constant 0 : index
    %get3A_21 = arith.constant 0 : index
    %get3A_22 = vector.load %arg3[%get3A_20, %get3A_21] : memref<640x144xf32, #tpu.memory_space<vmem>>, vector<640x128xf32>
    %mul3A_23 = vector.broadcast %exp3A : vector<640x1xf32> to vector<640x128xf32>
    %mul3A_24 = arith.mulf %mul3A_23, %get3A_22 : vector<640x128xf32>
    %add3A_25 = arith.addf %slice3A, %mul3A_24 : vector<640x128xf32>
    %slice3A_26 = vector.extract_strided_slice %add3A_19 {offsets = [0, 128], sizes = [640, 1], strides = [1, 1]} : vector<640x144xf32> to vector<640x1xf32>
    %add3A_27 = arith.addf %slice3A_26, %exp3A : vector<640x1xf32>
    %add3A_28 = arith.constant 1.000000e-16 : f32
    %add3A_29 = vector.broadcast %add3A_28 : f32 to vector<640x1xf32>
    %add3A_30 = arith.addf %add3A_27, %add3A_29 : vector<640x1xf32>
    %div3A = vector.broadcast %add3A_30 : vector<640x1xf32> to vector<640x128xf32>
    %div3A_31 = arith.divf %add3A_25, %div3A : vector<640x128xf32>
    %get3A_32 = arith.constant 0 : index
    %get3A_33 = arith.constant 0 : index
    %get3A_34 = vector.load %arg4[%get3A_32, %get3A_33] : memref<1x128xf32, #tpu.memory_space<vmem>>, vector<1x128xf32>
    %get3A_35 = arith.constant 0 : index
    %get3A_36 = arith.constant 0 : index
    %get3A_37 = vector.load %arg5[%get3A_35, %get3A_36] : memref<1x128xf32, #tpu.memory_space<vmem>>, vector<1x128xf32>
    %add3A_38 = arith.addf %get3A_34, %get3A_37 : vector<1x128xf32>
    %add3A_39 = vector.broadcast %add3A_38 : vector<1x128xf32> to vector<640x128xf32>
    %add3A_40 = arith.addf %div3A_31, %add3A_39 : vector<640x128xf32>
    %get3A_41 = arith.constant 0 : index
    %get3A_42 = arith.constant 0 : index
    %get3A_43 = vector.load %arg6[%get3A_41, %get3A_42] : memref<1x1xf32, #tpu.memory_space<vmem>>, vector<1x1xf32>
    %get3A_44 = vector.extract %get3A_43[0, 0] : f32 from vector<1x1xf32>
    %ge3A = arith.constant 0.000000e+00 : f32
    %ge3A_45 = vector.broadcast %ge3A : f32 to vector<640x128xf32>
    %ge3A_46 = arith.cmpf oge, %add3A_40, %ge3A_45 : vector<640x128xf32>
    %mul3A_47 = vector.broadcast %get3A_44 : f32 to vector<640x128xf32>
    %mul3A_48 = arith.mulf %mul3A_47, %add3A_40 : vector<640x128xf32>
    %select_n3A_49 = arith.select %ge3A_46, %add3A_40, %mul3A_48 : vector<640x128xi1>, vector<640x128xf32>
    %swap3A = arith.constant 0 : index
    %swap3A_50 = arith.constant 0 : index
    %swap3A_51 = vector.load %arg7[%swap3A, %swap3A_50] : memref<640x128xf32, #tpu.memory_space<vmem>>, vector<640x128xf32>
    tpu.vector_store %arg7[%swap3A, %swap3A_50], %select_n3A_49 {strides = array<i32>} : memref<640x128xf32, #tpu.memory_space<vmem>>, vector<640x128xf32>,
    return
  }
  func.func @transform_0(%arg0: i32) -> (i32, i32, i32) {
    %c0_i32 = arith.constant 0 : i32
    %c0_i32_0 = arith.constant 0 : i32
    %c0_i32_1 = arith.constant 0 : i32
    return %c0_i32, %arg0, %c0_i32_0 : i32, i32, i32
  }
  func.func @transform_1(%arg0: i32) -> (i32, i32) {
    %c0_i32 = arith.constant 0 : i32
    %c0_i32_0 = arith.constant 0 : i32
    return %arg0, %c0_i32 : i32, i32
  }
  func.func @transform_2(%arg0: i32) -> (i32, i32) {
    %c0_i32 = arith.constant 0 : i32
    %c0_i32_0 = arith.constant 0 : i32
    return %arg0, %c0_i32 : i32, i32
  }
  func.func @transform_3(%arg0: i32) -> (i32, i32) {
    %c0_i32 = arith.constant 0 : i32
    %c0_i32_0 = arith.constant 0 : i32
    %c0_i32_1 = arith.constant 0 : i32
    return %c0_i32, %c0_i32_0 : i32, i32
  }
  func.func @transform_4(%arg0: i32) -> (i32, i32) {
    %c0_i32 = arith.constant 0 : i32
    %c0_i32_0 = arith.constant 0 : i32
    %c0_i32_1 = arith.constant 0 : i32
    return %c0_i32, %c0_i32_0 : i32, i32
  }
  func.func @transform_5(%arg0: i32) -> (i32, i32) {
    %c0_i32 = arith.constant 0 : i32
    %c0_i32_0 = arith.constant 0 : i32
    %c0_i32_1 = arith.constant 0 : i32
    return %c0_i32, %c0_i32_0 : i32, i32
  }
  func.func @transform_6(%arg0: i32) -> (i32, i32) {
    %c0_i32 = arith.constant 0 : i32
    %c0_i32_0 = arith.constant 0 : i32
    return %arg0, %c0_i32 : i32, i32
  }
}

</mosaic_0001>

<sc_bundles>
// kernel: kernel.5.cloned.1.call-start
scs
__scs_entry_jumppad:
0x0: {  	(pc) =	sbr.rel $0x88, $3  }
0x1: {  	(tag) =	ssettag $0x0;
	lr =	simm.s32 $0x1  }
0x2: {  	[smem:$0x3F98] =	sst lr;
	_ =	strace $0xD0000000  }
0x3: {  	_ = 	snop  }
0x4: {  	_ = 	snop  }
0x5: {  	_ = 	snop  }
0x6: {  	_ = 	snop  }
0x7: {  	_ = 	snop  }
__scs_overlays_trampoline_lowered:
0x8: {  	[smem:$0x3FA7] =	sst s0  }
0x9: {  	[smem:$0x3FA8] =	sst s1  }
0xa: {  	[smem:$0x3FA9] =	sst s2  }
0xb: {  	[smem:$0x3FAA] =	sst s3  }
0xc: {  	[smem:$0x3FAB] =	sst s4  }
0xd: {  	[smem:$0x3FAC] =	sst s5  }
0xe: {  	[smem:$0x3FAD] =	sst s6  }
0xf: {  	[smem:$0x3FAE] =	sst s7  }
0x10: {  	[smem:$0x3FAF] =	sst s8  }
0x11: {  	[smem:$0x3FB0] =	sst s9;
	s0 =	simm.s32 @!p0 $0x0  }
0x12: {  	s1 =	sld [smem:$0x3F96];
	s0 =	simm.s32 @p0 $0x1  }
0x13: {  	[smem:$0x3FB1] =	sst s0;
	s0 =	simm.s32 @!p1 $0x0  }
0x14: {  	s2 =	sld [smem:$0x3F95];
	s0 =	simm.s32 @p1 $0x1  }
0x15: {  	[smem:$0x3FB2] =	sst s0;
	s0 =	simm.s32 @!p2 $0x0  }
0x16: {  	s3 =	sld [smem:$0x3FDB];
	s0 =	simm.s32 @p2 $0x1  }
0x17: {  	s4 =	simm.s32 $0x1BF5;
	[smem:$0x3FB4] =	sst s0  }
0x18: {  	s0 =	sld [smem:$0x3F97];
	_ =	swait.ge [sflag:s4], $0x0  }
0x19: {  	s7 =	sld [smem:$0x3F98]  }
0x1a: {  	s8 =	sadd.s32 $0xFFFFE003, lr  }
0x1b: {  	s9 =	sadd.s32 $0xFFFFFEF7, lr;
	s5 =	simm.s32 $0xFFFFFFFF;
	p2 =	slt.u32 s8, $0xFFFFF086  }
0x1c: {  	p1 =	slt.u32 s9, $0xF7A;
	s5 =	simm.s32 @!p2 $0x0  }
0x1d: {  	s5 =	simm.s32 @p1 $0x1;
	p0 =	seq.s32 s7, s2  }
0x1e: {  	s7 =	smul.u32 @!p0 $0xF7A, s2;
	p2 =	seq.s32 @!p0 s5, $0x0  }
0x1f: {  	s9 =	smul.u32 $0xF7A, s1;
	s8 =	simm.s32 @!p0 $0x1BF5;
	p2 =	por !p2, p0  }
0x20: {  	[sflag:s8] =	ssyncset.s32 @!p0 $0xFFFFF086;
	s6 =	sadd.s32 @!p0 s3, s7;
	s7 =	simm.s32 @!p0 $0x108  }
0x21: {  	s3 =	sadd.s32 s3, s9;
	s6 =	sadd.s32 @!p0 $0x88, s6;
	s7 =	simm.s32 @p2 $0x1082  }
0x22: {  	[simem:s7], [sflag:s8] =	dma.local @!p0 [hbm:s6], $0xF7A  }
0x23: {  	s9 =	sor.u32 $0xD0000000, s2;
	s6 =	simm.s32 $0x108;
	_ =	swait.ge @!p0 [sflag:s8], $0x0  }
0x24: {  	s3 =	sadd.s32 $0x88, s3;
	s6 =	simm.s32 @!p1 $0x1082;
	[sflag:s4] =	ssyncset.s32 $0xFFFFF086  }
0x25: {  	[simem:s6], [sflag:s4] =	dma.local [hbm:s3], $0xF7A  }
0x26: {  	[smem:$0x3F98] =	sst s1;
	(tag) =	ssettag s2;
	_ =	strace s9  }
0x27: {  	s1 =	sld [smem:$0x3FA8]  }
0x28: {  	s2 =	sld [smem:$0x3FA9]  }
0x29: {  	s4 =	sld [smem:$0x3FAB]  }
0x2a: {  	p0 =	seq.s32 s5, $0x0;
	s5 =	sld [smem:$0x3FAC]  }
0x2b: {  	s6 =	sld [smem:$0x3FAD]  }
0x2c: {  	s7 =	sld [smem:$0x3FAE]  }
0x2d: {  	s3 =	simm.s32 $0x108;
	s8 =	sld [smem:$0x3FAF]  }
0x2e: {  	s3 =	simm.s32 @!p0 $0x1082;
	s9 =	sld [smem:$0x3FB0]  }
0x2f: {  	lr =	sadd.s32 s0, s3;
	s0 =	sld [smem:$0x3FA7]  }
0x30: {  	s3 =	sld [smem:$0x3FAA]  }
0x31: {  	[smem:$0x3FB3] =	sst s10  }
0x32: {  	s10 =	sld [smem:$0x3FB1];
	_ =	sdelay $0x3  }
0x33: {  	p0 =	seq.s32 s10, $0x1;
	s10 =	sld [smem:$0x3FB3];
	_ =	sdelay $0x3  }
0x34: {  	[smem:$0x3FB3] =	sst s10  }
0x35: {  	s10 =	sld [smem:$0x3FB2];
	_ =	sdelay $0x3  }
0x36: {  	p1 =	seq.s32 s10, $0x1;
	s10 =	sld [smem:$0x3FB3];
	_ =	sdelay $0x3  }
0x37: {  	[smem:$0x3FB3] =	sst s10  }
0x38: {  	s10 =	sld [smem:$0x3FB4]  }
0x39: {  	_ = 	snop;
	(pc) =	sbr.ind lr, $3  }
0x3a: {  	_ = 	snop  }
0x3b: {  	_ = 	snop  }
0x3c: {  	p2 =	seq.s32 s10, $0x1;
	s10 =	sld [smem:$0x3FB3]  }
0x3d: {  	_ =	shalt  }
0x3e: {  	_ =	shalt  }
0x3f: {  	_ =	shalt  }
0x40: {  	_ =	shalt  }
0x41: {  	_ =	shalt  }
0x42: {  	_ =	shalt  }
0x43: {  	_ =	shalt  }
0x44: {  	_ =	shalt  }
0x45: {  	_ =	shalt  }
0x46: {  	_ =	shalt  }
0x47: {  	_ =	shalt  }
0x48: {  	_ =	shalt  }
0x49: {  	_ =	shalt  }
0x4a: {  	_ =	shalt  }
0x4b: {  	_ =	shalt  }
0x4c: {  	_ =	shalt  }
0x4d: {  	_ =	shalt  }
0x4e: {  	_ =	shalt  }
0x4f: {  	_ =	shalt  }
0x50: {  	_ =	shalt  }
0x51: {  	_ =	shalt  }
0x52: {  	_ =	shalt  }
0x53: {  	_ =	shalt  }
0x54: {  	_ =	shalt  }
0x55: {  	_ =	shalt  }
0x56: {  	_ =	shalt  }
0x57: {  	_ =	shalt  }
0x58: {  	_ =	shalt  }
0x59: {  	_ =	shalt  }
0x5a: {  	_ =	shalt  }
0x5b: {  	_ =	shalt  }
0x5c: {  	_ =	shalt  }
0x5d: {  	_ =	shalt  }
0x5e: {  	_ =	shalt  }
0x5f: {  	_ =	shalt  }
0x60: {  	_ =	shalt  }
0x61: {  	_ =	shalt  }
0x62: {  	_ =	shalt  }
0x63: {  	_ =	shalt  }
0x64: {  	_ =	shalt  }
0x65: {  	_ =	shalt  }
0x66: {  	_ =	shalt  }
0x67: {  	_ =	shalt  }
0x68: {  	_ =	shalt  }
0x69: {  	_ =	shalt  }
0x6a: {  	_ =	shalt  }
0x6b: {  	_ =	shalt  }
0x6c: {  	_ =	shalt  }
0x6d: {  	_ =	shalt  }
0x6e: {  	_ =	shalt  }
0x6f: {  	_ =	shalt  }
0x70: {  	_ =	shalt  }
0x71: {  	_ =	shalt  }
0x72: {  	_ =	shalt  }
0x73: {  	_ =	shalt  }
0x74: {  	_ =	shalt  }
0x75: {  	_ =	shalt  }
0x76: {  	_ =	shalt  }
0x77: {  	_ =	shalt  }
0x78: {  	_ =	shalt  }
0x79: {  	_ =	shalt  }
0x7a: {  	_ =	shalt  }
0x7b: {  	_ =	shalt  }
0x7c: {  	_ =	shalt  }
0x7d: {  	_ =	shalt  }
0x7e: {  	_ =	shalt  }
0x7f: {  	_ =	shalt  }
0x80: {  	_ =	shalt  }
0x81: {  	_ =	shalt  }
0x82: {  	_ =	shalt  }
0x83: {  	_ =	shalt  }
0x84: {  	_ =	shalt  }
0x85: {  	_ =	shalt  }
0x86: {  	_ =	shalt  }
0x87: {  	_ =	shalt  }
.Lfunc_end0:
.L_simem_size_0:
called_computation_lowered:
.L_overlay_start_0:
0x88: {  	s2 =	sld [smem:$0x3FD9]  }
0x89: {  	s3 =	sld [smem:$0x3FFE];
	_ =	sdelay $0x1  }
0x8a: {  	s1 =	srdreg.scid  }
0x8b: {  	s0 =	sand.u32 $0x1, s1  }
0x8c: {  	s17 =	sshll.u32 s0, $0xA;
	s2 =	sadd.s32 s3, s2  }
0x8d: {  	s2 =	sadd.s32 s2, s17  }
0x8e: {  	[smem:$0x3FBF] =	sst s2  }
0x8f: {  	_ = 	snop  }
0x90: {  	s2 =	sld [smem:$0x3FD0];
	(tm) =	ssettm $0x1  }
0x91: {  	s18 =	sld [smem:$0x3FFB];
	_ =	sdelay $0x3  }
0x92: {  	_ =	strace s18  }
0x93: {  	s3 =	sld [smem:$0x3FFC];
	_ =	sdelay $0x3  }
0x94: {  	_ =	strace s3  }
0x95: {  	s3 =	sld [smem:$0x3FFD];
	_ =	sdelay $0x3  }
0x96: {  	_ =	strace s3  }
0x97: {  	_ =	strace $0x8FFFFFFF  }
0x98: {  	s19 =	sld [smem:$0x3FDB];
	_ =	sdelay $0x1  }
0x99: {  	s4 =	simm.s32 $_scs_section_size  }
0x9a: {  	s5 =	simm.s32 $_size__tile_overlayer_lowered;
	s6 =	simm.s32 $_tile_overlayer_lowered  }
0x9b: {  	s22 =	simm.s32 $0x1BFF;
	s21 =	sshll.u32 s6, $0x1;
	s3 =	sadd.s32 s4, s19  }
0x9c: {  	s7 =	simm.s32 $0x0;
	s20 =	sshll.u32 s5, $0x1;
	s5 =	sadd.s32 s21, s3  }
0x9d: {  	[timem:s7], [sflag:s22] =	dma.local [hbm:s5], s20  }
0x9e: {  	_ =	swait.ge [sflag:s22], s20  }
0x9f: {  	s4 =	ssub.s32 $0x0, s20;
	[sflag:s22] =	ssyncset.done $0x0  }
0xa0: {  	[sflag:s22] =	ssyncadd.s32 s4;
	_ =	sdelay $0x1  }
0xa1: {  	s23 =	simm.s32 $0x1B8B  }
0xa2: {  	_ =	swait.ge [sflag:s23], $0x1  }
0xa3: {  	[sflag:s23] =	ssyncset.done $0x0  }
0xa4: {  	s25 =	simm.s32 $0x1B8E;
	s24 =	sld [smem:$0x3FFE];
	[sflag:s23] =	ssyncadd.s32 $0xFFFFFFFF  }
0xa5: {  	s26 =	simm.s32 $execute0_lowered;
	[smem:$0x3FD2] =	sst s25  }
0xa6: {  	s5 =	sshll.u32 s26, $0x1;
	_ =	strace $0x80000046;
	[dreg:$0x1] =	wrdreg $0xFFFFFFFF  }
0xa7: {  	s28 =	simm.s32 $_size_execute0_lowered;
	s3 =	sadd.s32 s3, s5;
	[dreg:$0x0] =	wrdreg $0x0  }
0xa8: {  	s5 =	sshll.u32 s28, $0x1;
	[dreg:$0x2] =	wrdreg s3  }
0xa9: {  	[dreg:$0x3] =	wrdreg s5  }
0xaa: {  	[dreg:$0x4] =	wrdreg $0xC0  }
0xab: {  	_ =	task [dreg:s7], $0x5FFFF  }
0xac: {  	[dreg:$0x1] =	wrdreg $0xFFFFFFFF  }
0xad: {  	[dreg:$0x0] =	wrdreg $0x60  }
0xae: {  	[dreg:$0x2] =	wrdreg s24  }
0xaf: {  	[dreg:$0x3] =	wrdreg s2  }
0xb0: {  	[dreg:$0x4] =	wrdreg $0x52900  }
0xb1: {  	[dreg:$0x5] =	wrdreg $0x9  }
0xb2: {  	_ =	task.clear_ibuf [dreg:s7], $0x6FFFF;
	_ =	strace $0x90000046  }
0xb3: {  	s29 =	simm.s32 $0x9;
	_ =	strace $0x80000048  }
0xb4: {  	_ =	swait.ge [sflag:s29], $0x1  }
0xb5: {  	[sflag:s29] =	ssyncadd.s32 $0xFFFFFFFF  }
0xb6: {  	_ =	strace $0x90000048  }
0xb7: {  	_ =	sfence  }
0xb8: {  	s30 =	sld [smem:$0x0];
	_ =	sdelay $0x2  }
0xb9: {  	s31 =	sshll.u32 s1, $0xD;
	s1 =	sshrl.u32 s1, $0x2  }
0xba: {  	s3 =	sand.u32 $0x4000, s31;
	s1 =	sadd.s32 s1, s30  }
0xbb: {  	s0 =	sor.u32 s3, s0;
	s1 =	sshll.u32 s1, $0x11  }
0xbc: {  	s0 =	sor.u32 s1, s0  }
0xbd: {  	s0 =	sadd.s32 $0x8F2B, s0  }
0xbe: {  	[sflag:s0] =	ssyncadd.remote.s32 $0x1  }
0xbf: {  	_ =	sfence.sel $0xFFFF  }
0xc0: {  	[dreg:$0x0] =	wrdreg $0xFFFFFFFF;
	(pc) =	sbr.abs _section_cstart, $3  }
0xc1: {  	[dreg:$0x1] =	wrdreg $0xFFFFFFFF  }
0xc2: {  	_ =	task.clear_ibuf [dreg:s7], $0x2FFFF;
	_ =	strace $0x9FFFFFFF  }
0xc3: {  	(tm) =	ssettm $0x7FFFFFFF  }
tec
execute0_lowered:
.L_overlay_start_1:
0x0: {  	(tag) =	ssettag $0x1  }
0x1: {  	s0 =	rddreg [dreg:$0x0]  }
0x2: {  	s2 =	rddreg [dreg:$0x1]  }
0x3: {  	s3 =	rddreg [dreg:$0x2]  }
0x4: {  	s1 =	srdreg.scid;
	s12 =	stileid.u32  }
0x5: {  	s5 =	simm.s32 $0x0;
	s28 =	simm.s32 $0xF0;
	s29 =	simm.s32 $0x1  }
0x6: {  	s30 =	simm.s32 $0x2;
	s31 =	simm.s32 $0x3;
	s4 =	smul.u32 $0x16800, s12  }
0x7: {  	s1 =	sand.u32 $0x1, s1;
	[smem:$0x7FF] =	sst s5;
	s10 =	smul.u32 $0x5A000, s12  }
0x8: {  	s5 =	sadd.s32 $0x7E800, s0;
	s6 =	sadd.s32 $0x51200, s0;
	s7 =	smul.u32 $0x168000, s1  }
0x9: {  	_ =	strace $0x80000047;
	s20 =	ssub.s32 $0x2, s1;
	s1 =	sshll.u32 s1, $0x4  }
0xa: {  	s11 =	sshrl.u32 s20, $0x1;
	s10 =	sshrl.u32 s10, $0x2;
	s1 =	sor.u32 s12, s1  }
0xb: {  	s8 =	sadd.s32 s4, s7;
	s7 =	sadd.s32 $0x50C00, s0;
	s10 =	sadd.s32 s10, s3  }
0xc: {  	s11 =	ssub.s32 s20, s11;
	s19 =	smul.u32 $0x2710, s1;
	s21 =	sadd.s32 $0x2400, s10  }
0xd: {  	s9 =	sshrl.u32 s8, $0x3;
	s22 =	sadd.s32 $0x4800, s10;
	[dreg:$0x4] =	wrdreg s21  }
0xe: {  	s8 =	sadd.s32 $0x51800, s0;
	s23 =	sadd.s32 $0x6C00, s10;
	[dreg:$0x5] =	wrdreg s22  }
0xf: {  	s24 =	sadd.s32 $0x9000, s10;
	s25 =	sadd.s32 $0xB400, s10;
	[dreg:$0x6] =	wrdreg s23  }
0x10: {  	s26 =	sadd.s32 $0xD800, s10;
	s16 =	sadd.s32 $0xFC00, s10;
	[dreg:$0x7] =	wrdreg s24  }
0x11: {  	s17 =	sadd.s32 $0x12000, s10;
	s18 =	sadd.s32 $0x14400, s10;
	[dreg:$0x8] =	wrdreg s25  }
0x12: {  	s0 =	sadd.s32 s9, s0;
	s9 =	sadd.s32 s4, s3;
	[dreg:$0x9] =	wrdreg s26  }
0x13: {  	s21 =	smax.u32 s11, $0x1;
	s22 =	simm.s32 $0x2E90;
	s23 =	simm.s32 $0x4  }
0x14: {  	s24 =	simm.s32 $0x50;
	s25 =	simm.s32 $0x190;
	s26 =	simm.s32 $0xA0  }
0x15: {  	v0 =	vimm.f32 $0.0e+00;
	s4 =	simm.s32 $0x0;
	s20 =	sadd.s32 $0x88600, s0;
	s0 =	simm.s32 $0x140  }
.LBB2_1:
0x16: {  	s1 =	simm.s32 $0x0  }
0x17: {  	s1 =	smul.u32 $0xE38F, s1;
	_ =	sdelay $0x1  }
0x18: {  	s10 =	sshrl.u32 s1, $0x13  }
0x19: {  	s11 =	simm.s32 $0x0;
	s1 =	simm.s32 $0x1;
	s12 =	smul.u32 $0x9, s10  }
.LBB2_2:
0x1a: {  	s13 =	smul.u32 $0xE38F, s1  }
0x1b: {  	s14 =	smov.u32 s1;
	s10 =	smul.u32 $0x240, s10;
	p0 =	sne.s32 s1, $0x23F  }
.Ltmp0:
0x1c: {  	s11 =	ssub.s32 s11, s12;
	(pc) =	sbr.rel @p0 .LBB2_2-.Ltmp0, $4  }
0x1d: {  	s1 =	sadd.s32 $0x1, s1;
	s11 =	sand.u32 $0xFFFF, s11  }
0x1e: {  	s12 =	sshrl.u32 s10, $0x2;
	s15 =	sshll.u32 s11, $0x4;
	s11 =	smov.u32 s14  }
0x1f: {  	s10 =	sshrl.u32 s13, $0x13;
	s13 =	sadd.s32 s15, s12  }
0x20: {  	s12 =	smul.u32 $0x9, s10;
	[tilespmem:s13+$0x2E90] =	vst v0  }
0x21: {  	_ = 	snop  }
0x22: {  	s10 =	smul.u32 $0x240, s10;
	s1 =	ssub.s32 s11, s12  }
0x23: {  	s1 =	sand.u32 $0xFFFF, s1  }
0x24: {  	s10 =	sshrl.u32 s10, $0x2;
	s1 =	sshll.u32 s1, $0x4  }
0x25: {  	s1 =	sadd.s32 s1, s10  }
0x26: {  	[tilespmem:s1+$0x2E90] =	vst v0  }
0x27: {  	[spmem:s9] =	stream.linear.scatter [tilespmem:s22], [sflag:$0x4], $0x2400, $0x38;
	[tilespmem:$0x1BA90] =	vst v63  }
0x28: {  	_ =	swait.ge [sflag:s23], $0x2400  }
0x29: {  	[sflag:s23] =	ssyncset.done $0x0  }
0x2a: {  	s10 =	rddreg [dreg:$0x4];
	[sflag:s23] =	ssyncadd.s32 $0xFFFFDC00  }
0x2b: {  	[spmem:s10] =	stream.linear.scatter [tilespmem:s22], [sflag:$0x4], $0x2400, $0x38;
	[tilespmem:$0x1BA90] =	vst v63  }
0x2c: {  	_ =	swait.ge [sflag:s23], $0x2400  }
0x2d: {  	[sflag:s23] =	ssyncset.done $0x0  }
0x2e: {  	s11 =	rddreg [dreg:$0x5];
	[sflag:s23] =	ssyncadd.s32 $0xFFFFDC00  }
0x2f: {  	[spmem:s11] =	stream.linear.scatter [tilespmem:s22], [sflag:$0x4], $0x2400, $0x38;
	[tilespmem:$0x1BA90] =	vst v63  }
0x30: {  	_ =	swait.ge [sflag:s23], $0x2400  }
0x31: {  	[sflag:s23] =	ssyncset.done $0x0  }
0x32: {  	s12 =	rddreg [dreg:$0x6];
	[sflag:s23] =	ssyncadd.s32 $0xFFFFDC00  }
0x33: {  	[spmem:s12] =	stream.linear.scatter [tilespmem:s22], [sflag:$0x4], $0x2400, $0x38;
	[tilespmem:$0x1BA90] =	vst v63  }
0x34: {  	_ =	swait.ge [sflag:s23], $0x2400  }
0x35: {  	[sflag:s23] =	ssyncset.done $0x0  }
0x36: {  	s13 =	rddreg [dreg:$0x7];
	[sflag:s23] =	ssyncadd.s32 $0xFFFFDC00  }
0x37: {  	[spmem:s13] =	stream.linear.scatter [tilespmem:s22], [sflag:$0x4], $0x2400, $0x38;
	[tilespmem:$0x1BA90] =	vst v63  }
0x38: {  	_ =	swait.ge [sflag:s23], $0x2400  }
0x39: {  	[sflag:s23] =	ssyncset.done $0x0  }
0x3a: {  	s14 =	rddreg [dreg:$0x8];
	[sflag:s23] =	ssyncadd.s32 $0xFFFFDC00  }
0x3b: {  	[spmem:s14] =	stream.linear.scatter [tilespmem:s22], [sflag:$0x4], $0x2400, $0x38;
	[tilespmem:$0x1BA90] =	vst v63  }
0x3c: {  	_ =	swait.ge [sflag:s23], $0x2400  }
0x3d: {  	[sflag:s23] =	ssyncset.done $0x0  }
0x3e: {  	s15 =	rddreg [dreg:$0x9];
	[sflag:s23] =	ssyncadd.s32 $0xFFFFDC00  }
0x3f: {  	[spmem:s15] =	stream.linear.scatter [tilespmem:s22], [sflag:$0x4], $0x2400, $0x38;
	[tilespmem:$0x1BA90] =	vst v63  }
0x40: {  	_ =	swait.ge [sflag:s23], $0x2400  }
0x41: {  	[sflag:s23] =	ssyncset.done $0x0  }
0x42: {  	[sflag:s23] =	ssyncadd.s32 $0xFFFFDC00  }
0x43: {  	[spmem:s16] =	stream.linear.scatter [tilespmem:s22], [sflag:$0x4], $0x2400, $0x38;
	[tilespmem:$0x1BA90] =	vst v63  }
0x44: {  	_ =	swait.ge [sflag:s23], $0x2400  }
0x45: {  	[sflag:s23] =	ssyncset.done $0x0  }
0x46: {  	[sflag:s23] =	ssyncadd.s32 $0xFFFFDC00  }
0x47: {  	[spmem:s17] =	stream.linear.scatter [tilespmem:s22], [sflag:$0x4], $0x2400, $0x38;
	[tilespmem:$0x1BA90] =	vst v63  }
0x48: {  	_ =	swait.ge [sflag:s23], $0x2400  }
0x49: {  	[sflag:s23] =	ssyncset.done $0x0  }
0x4a: {  	[sflag:s23] =	ssyncadd.s32 $0xFFFFDC00  }
0x4b: {  	[spmem:s18] =	stream.linear.scatter [tilespmem:s22], [sflag:$0x4], $0x2400, $0x38;
	[tilespmem:$0x1BA90] =	vst v63  }
0x4c: {  	_ =	swait.ge [sflag:s23], $0x2400  }
0x4d: {  	[sflag:s23] =	ssyncset.done $0x0  }
0x4e: {  	[sflag:s23] =	ssyncadd.s32 $0xFFFFDC00  }
0x4f: {  	s1 =	simm.s32 $0x0;
	s10 =	simm.s32 $0x0;
	[bflag:$0x0] =	sbarrier.arrive $0xFFFF  }
.LBB2_4:
0x50: {  	s11 =	smul.u32 $0x50, s10;
	_ =	sdelay $0x1  }
0x51: {  	s11 =	sadd.s32 s19, s11  }
0x52: {  	s11 =	sshrl.u32 s11, $0x3  }
0x53: {  	s12 =	sadd.s32 s5, s11  }
0x54: {  	[tilespmem:s1], [sflag:$0x4] =	stream.linear.gather [hbm4b:s12+s1], $0x50, $0x38;
	[tilespmem:$0x1BA90] =	vst v63  }
0x55: {  	_ =	swait.ge [sflag:s23], $0x50  }
0x56: {  	[sflag:s23] =	ssyncset.done $0x0  }
0x57: {  	s11 =	sadd.s32 s2, s11;
	[sflag:s23] =	ssyncadd.s32 $0xFFFFFFB0  }
0x58: {  	[tilespmem:s24], [sflag:$0x4] =	stream.linear.gather [hbm4b:s11+s1], $0x50, $0x38;
	[tilespmem:$0x1BA90] =	vst v63  }
0x59: {  	_ =	swait.ge [sflag:s23], $0x50  }
0x5a: {  	[sflag:s23] =	ssyncset.done $0x0  }
0x5b: {  	[sflag:s23] =	ssyncadd.s32 $0xFFFFFFB0  }
0x5c: {  	[tilespmem:s25], [sflag:$0x3] =	stream.indirect.gather [hbm4b:s8+s24], $0x90, s1, s24, $0xb8;
	[tilespmem:$0x1BA90] =	vst v63  }
0x5d: {  	_ = 	snop  }
0x5e: {  	[tilespmem:s26], [sflag:$0x1] =	stream.indirect.gather [hbm4b:s6+s24], $0x1, s1, s24, $0xb8;
	[tilespmem:$0x1BA90] =	vst v63  }
0x5f: {  	_ = 	snop  }
0x60: {  	[tilespmem:s28], [sflag:$0x2] =	stream.indirect.gather [hbm4b:s7+s24], $0x1, s24, s24, $0xb8;
	[tilespmem:$0x1BA90] =	vst v63  }
0x61: {  	_ =	swait.ge [sflag:s29], $0x50  }
0x62: {  	[sflag:s29] =	ssyncset.done $0x0  }
0x63: {  	[sflag:s29] =	ssyncadd.s32 $0xFFFFFFB0  }
0x64: {  	_ =	swait.ge [sflag:s30], $0x50  }
0x65: {  	[sflag:s30] =	ssyncset.done $0x0  }
0x66: {  	[sflag:s30] =	ssyncadd.s32 $0xFFFFFFB0  }
0x67: {  	v1 =	vld [tilespmem:$0xA0]  }
0x68: {  	v2 =	vld [tilespmem:$0xF0]  }
0x69: {  	v3 =	vld [tilespmem:$0xB0]  }
0x6a: {  	v4 =	vld [tilespmem:$0x100]  }
0x6b: {  	v5 =	vld [tilespmem:$0xC0]  }
0x6c: {  	v6 =	vld [tilespmem:$0x110]  }
0x6d: {  	v7 =	vld [tilespmem:$0x120];
	v1 =	vadd.f32 v2, v1  }
0x6e: {  	v9 =	vld [tilespmem:$0xE0]  }
0x6f: {  	v2 =	vld [tilespmem:$0xD0];
	v8 =	vmul.f32 $2.000000030e-01, v1  }
0x70: {  	v10 =	vld [tilespmem:$0x130];
	vm0 =	vgt.f32 v1, $0.0e+00  }
0x71: {  	v3 =	vadd.f32 v4, v3;
	v1 =	vsel vm0, v1, v8  }
0x72: {  	v1 =	vmul.f32 $1.442695020e+00, v1  }
0x73: {  	v5 =	vadd.f32 v6, v5;
	v4 =	vmul.f32 $2.000000030e-01, v3  }
0x74: {  	vm12 =	vgt.f32 v3, $0.0e+00;
	(erf) = vpow2.f32 v1;
	v1 =	vadd.f32 v7, v2  }
0x75: {  	v2 =	vsel vm12, v3, v4;
	v3 =	vmul.f32 $2.000000030e-01, v5;
	v4 =	vadd.f32 v10, v9  }
0x76: {  	vm13 =	vgt.f32 v5, $0.0e+00;
	v2 =	vmul.f32 $1.442695020e+00, v2;
	v6 =	vmul.f32 $2.000000030e-01, v1  }
0x77: {  	v3 =	vsel vm13, v5, v3;
	vm14 =	vgt.f32 v1, $0.0e+00;
	v5 =	vmul.f32 $2.000000030e-01, v4  }
0x78: {  	vm15 =	vgt.f32 v4, $0.0e+00;
	v3 =	vmul.f32 $1.442695020e+00, v3;
	v1 =	vsel vm14, v1, v6  }
0x79: {  	(erf) = vpow2.f32 v2;
	v2 =	vsel vm15, v4, v5;
	v1 =	vmul.f32 $1.442695020e+00, v1  }
0x7a: {  	(erf) = vpow2.f32 v3;
	v2 =	vmul.f32 $1.442695020e+00, v2  }
0x7b: {  	(erf) = vpow2.f32 v1  }
0x7c: {  	(erf) = vpow2.f32 v2;
	_ =	sdelay $0x4  }
0x7d: {  	v1 =	vpop (erf)  }
0x7e: {  	[tilespmem:$0x140] =	vst v1;
	v2 =	vpop (erf)  }
0x7f: {  	[tilespmem:$0x150] =	vst v2;
	v1 =	vpop (erf)  }
0x80: {  	[tilespmem:$0x160] =	vst v1;
	v2 =	vpop (erf)  }
0x81: {  	[tilespmem:$0x170] =	vst v2;
	v1 =	vpop (erf)  }
0x82: {  	[tilespmem:$0x180] =	vst v1  }
0x83: {  	_ =	swait.ge [sflag:s31], $0x2D00  }
0x84: {  	[sflag:s31] =	ssyncset.done $0x0  }
0x85: {  	s11 =	simm.s32 $0x1D0;
	v1 =	vmov s1;
	[sflag:s31] =	ssyncadd.s32 $0xFFFFD300  }
0x86: {  	v6 =	vld [tilespmem:s11+$0xFFFFFFC0]  }
0x87: {  	v9 =	vld [tilespmem:s11+$0x30]  }
0x88: {  	v7 =	vld [tilespmem:s11+$0x40]  }
0x89: {  	v11 =	vld [tilespmem:s11+$0xFFFFFFE0]  }
0x8a: {  	v2 =	vld.idx.msk [tilespmem:v1+s0+$0x0], $0xffff  }
0x8b: {  	v3 =	vld [tilespmem:s11+$0x20]  }
0x8c: {  	v4 =	vld [tilespmem:s11+$0xFFFFFFD0]  }
0x8d: {  	v5 =	vld [tilespmem:s11+$0x10]  }
0x8e: {  	v1 =	vld [tilespmem:s11+$0xFFFFFFF0]  }
0x8f: {  	v10 =	vmul.f32 v6, v2;
	v8 =	vmul.f32 v7, v2;
	v6 =	vld [tilespmem:s11+$0x0]  }
0x90: {  	s13 =	simm.s32 $0x1D0;
	s12 =	simm.s32 $0x1;
	v7 =	vmul.f32 v11, v2;
	v9 =	vmul.f32 v9, v2  }
.LBB2_5:
0x91: {  	p0 =	sne.s32 s12, $0x4F  }
0x92: {  	[tilespmem:s11+$0xFFFFFFC0] =	vst v10;
	v4 =	vmul.f32 v4, v2;
	v3 =	vmul.f32 v3, v2;
	s13 =	sadd.s32 $0x90, s13;
	s14 =	smov.u32 s12;
	s12 =	sadd.s32 $0x1, s12  }
0x93: {  	v10 =	vmul.f32 v1, v2;
	v1 =	vmul.f32 v5, v2;
	[tilespmem:s11+$0x40] =	vst v8  }
0x94: {  	v2 =	vmul.f32 v6, v2;
	[tilespmem:s11+$0x30] =	vst v9  }
0x95: {  	[tilespmem:s11+$0xFFFFFFE0] =	vst v7  }
0x96: {  	v5 =	vmov s14;
	[tilespmem:s11+$0x10] =	vst v1  }
0x97: {  	v1 =	vld [tilespmem:s13+$0xFFFFFFF0];
	[tilespmem:s11+$0x0] =	vst v2  }
0x98: {  	v7 =	vld [tilespmem:s13+$0xFFFFFFC0];
	[tilespmem:s11+$0xFFFFFFF0] =	vst v10  }
0x99: {  	v9 =	vld [tilespmem:s13+$0x30];
	[tilespmem:s11+$0x20] =	vst v3  }
0x9a: {  	v8 =	vld [tilespmem:s13+$0x40];
	[tilespmem:s11+$0xFFFFFFD0] =	vst v4;
	s11 =	smov.u32 s13  }
0x9b: {  	v2 =	vld.idx.msk [tilespmem:v5+s0+$0x0], $0xffff  }
0x9c: {  	v11 =	vld [tilespmem:s13+$0xFFFFFFE0]  }
0x9d: {  	v3 =	vld [tilespmem:s13+$0x20]  }
.Ltmp1:
0x9e: {  	v4 =	vld [tilespmem:s13+$0xFFFFFFD0];
	(pc) =	sbr.rel @p0 .LBB2_5-.Ltmp1, $4  }
0x9f: {  	v5 =	vld [tilespmem:s13+$0x10]  }
0xa0: {  	v6 =	vld [tilespmem:s13+$0x0]  }
0xa1: {  	v10 =	vmul.f32 v7, v2;
	v8 =	vmul.f32 v8, v2  }
0xa2: {  	v9 =	vmul.f32 v9, v2;
	v7 =	vmul.f32 v11, v2  }
0xa3: {  	[tilespmem:s11+$0xFFFFFFC0] =	vst v10  }
0xa4: {  	[tilespmem:s11+$0x40] =	vst v8  }
0xa5: {  	v1 =	vmul.f32 v1, v2;
	[tilespmem:s11+$0x30] =	vst v9  }
0xa6: {  	v3 =	vmul.f32 v3, v2;
	[tilespmem:s11+$0xFFFFFFE0] =	vst v7  }
0xa7: {  	v5 =	vmul.f32 v5, v2;
	[tilespmem:s11+$0xFFFFFFF0] =	vst v1  }
0xa8: {  	v6 =	vmul.f32 v6, v2;
	[tilespmem:s11+$0x20] =	vst v3  }
0xa9: {  	s10 =	sadd.s32 $0x1, s10;
	v2 =	vmul.f32 v4, v2;
	[tilespmem:s11+$0x10] =	vst v5  }
0xaa: {  	p0 =	sne.s32 s10, $0x7D;
	[tilespmem:s11+$0x0] =	vst v6  }
.Ltmp2:
0xab: {  	[tilespmem:s11+$0xFFFFFFD0] =	vst v2;
	(pc) =	sbr.rel @p0 .LBB2_4-.Ltmp2, $4  }
0xac: {  	[spmem:s3] =	stream.indirect.scatter.add.f32 [tilespmem:s25], [sflag:$0x4], $0x90, s24, s24, $0xb8;
	[tilespmem:$0x1BA90] =	vst v63  }
0xad: {  	_ =	swait.ge [sflag:s23], $0x2D00  }
0xae: {  	[sflag:s23] =	ssyncset.done $0x0  }
0xaf: {  	[sflag:s23] =	ssyncadd.s32 $0xFFFFD300  }
0xb0: {  	s1 =	stileid.u32;
	s4 =	sadd.s32 $0x1, s4  }
0xb1: {  	[bflag:$0x0] =	sbarrier.arrive $0xFFFF;
	s1 =	sshll.u32 s1, $0x6;
	p0 =	sne.s32 s4, s21  }
.Ltmp3:
0xb2: {  	s10 =	sshrl.u32 s9, $0x3;
	s1 =	sor.u32 $0x1C04, s1;
	(pc) =	sbr.rel @p0 .LBB2_1-.Ltmp3, $4  }
0xb3: {  	[hbm:s20], [sflag:s1] =	dma.local [spmem:s10], $0x2D00  }
0xb4: {  	_ =	swait.ge [sflag:s23], $0x2D00  }
0xb5: {  	[sflag:s23] =	ssyncset.done $0x0  }
0xb6: {  	[sflag:s23] =	ssyncadd.s32 $0xFFFFD300  }
0xb7: {  	_ =	sfence.sel $0x180000  }
0xb8: {  	[bflag:$0x0] =	sbarrier.arrive $0xFFFF  }
0xb9: {  	_ =	strace $0x90000047  }
0xba: {  	s0 =	stileid.u32;
	[bflag:$0x2] =	sbarrier.arrive $0xFFFF  }
0xbb: {  	p0 =	sne.s32 s0, $0x0;
	s0 =	rddreg [dreg:$0x3]  }
0xbc: {  	s0 =	sadd.s32 @!p0 $0x100000, s0  }
0xbd: {  	[sflag:s0] =	ssyncadd.tile.s32 @!p0 $0x1;
	_ =	shalt  }
.Lfunc_end2:
_tile_overlayer_lowered:
.L_overlay_start_2:
0xbe: {  	(tag) =	ssettag $0x2  }
0xbf: {  	s0 =	rddreg [dreg:$0x0];
	s2 =	stileid.u32  }
0xc0: {  	s1 =	rddreg [dreg:$0x1];
	p0 =	sne.s32 s2, $0x0  }
0xc1: {  	s3 =	rddreg [dreg:$0x2];
	[bflag:$0x3] =	sbarrier.arrive $0xFFFF;
	s2 =	simm.s32 @!p0 $0x1C04  }
0xc2: {  	[timem:s3], [sflag:s2] =	dma.local @!p0 [hbm:s0], s1  }
0xc3: {  	s0 =	simm.s32 @!p0 $0x4  }
0xc4: {  	_ =	swait.ge @!p0 [sflag:s0], s1  }
0xc5: {  	s1 =	ssub.s32 @!p0 $0x0, s1;
	[sflag:s0] =	ssyncset.done @!p0 $0x0  }
0xc6: {  	[sflag:s0] =	ssyncadd.s32 @!p0 s1  }
0xc7: {  	[bflag:$0x3] =	sbarrier.arrive $0xFFFF  }
0xc8: {  	_ =	shalt  }

</sc_bundles>
